<compile_context>
chip_gen: v7x
topology: tpu7x:2x2x1
jax: 0.10.2.dev20260603
libtpu: 0.0.44.dev20260713+nightly
codegen_flags: <defaults>
</compile_context>

<pallas_src>
import functools

import jax
import jax.numpy as jnp
from jax.experimental import pallas as pl
from jax.experimental.pallas import tpu as pltpu

N_PTS_ = 4096
N_NODES_ = 1024
N_CMP_ = 1024
PSUB = 32
PLANE = 128
C_BLK = 4
UNROLL = 1
ORD_PAD = 528
N_BANK = N_NODES_ + N_NODES_ // 2 + N_NODES_ // 4
VAL_SHIFT = 4
IDX_BITS = 10
ONE_BITS = 0x3F800000
KV_MAX = (0x7F7FFFFF - ((1 << IDX_BITS) - 1)) >> IDX_BITS


def _key_build_kernel(xt_ref, key_ref, pair_ref, quad_ref):
    blk = xt_ref.shape[0]
    i = pl.program_id(0)
    a = jnp.abs(xt_ref[...])
    ab = jax.lax.bitcast_convert_type(a + 1.0, jnp.int32)
    kv = jnp.minimum((ab - ONE_BITS) >> VAL_SHIFT, KV_MAX)
    n = i * blk + jax.lax.broadcasted_iota(jnp.int32, a.shape, 0)
    key_i = (kv << IDX_BITS) | (N_NODES_ - 1 - n)
    keys = jax.lax.bitcast_convert_type(key_i, jnp.float32)
    key_ref[...] = keys
    k2 = keys.reshape(blk // 2, 2, PSUB, PLANE)
    pair = jnp.maximum(k2[:, 0], k2[:, 1])
    pair_ref[...] = pair
    p2 = pair.reshape(blk // 4, 2, PSUB, PLANE)
    quad_ref[...] = jnp.maximum(p2[:, 0], p2[:, 1])


def _reduce_kernel(key_ref, ord_ref, trip_ref, cnt_ref, val_ref, idx_ref):
    trips = trip_ref[0, 0, 0]
    BODY_ROWS = 4

    def body(i, carry):
        accs, ks, nis = carry
        base = i * BODY_ROWS
        for r in range(BODY_ROWS):
            new_nis = tuple(
                ord_ref[0, c, base + r + 2] for c in range(C_BLK))
            new_ks = tuple(key_ref[nis[c]] for c in range(C_BLK))
            accs = tuple(jnp.maximum(accs[c], ks[c]) for c in range(C_BLK))
            ks, nis = new_ks, new_nis
        return (accs, ks, nis)

    init_accs = tuple(
        jnp.zeros((PSUB, PLANE), jnp.float32) for _ in range(C_BLK))
    init_ks = tuple(key_ref[ord_ref[0, c, 0]] for c in range(C_BLK))
    init_nis = tuple(ord_ref[0, c, 1] for c in range(C_BLK))
    accs, _, _ = jax.lax.fori_loop(
        0, (trips + BODY_ROWS - 1) // BODY_ROWS, body,
        (init_accs, init_ks, init_nis))
    for c in range(C_BLK):
        a = jax.lax.bitcast_convert_type(accs[c], jnp.int32)
        has = cnt_ref[0, 0, c] > 0
        idx = (N_NODES_ - 1) - (a & ((1 << IDX_BITS) - 1))
        vb = ((a >> IDX_BITS) << VAL_SHIFT) + ONE_BITS
        val = jax.lax.bitcast_convert_type(vb, jnp.float32) - 1.0
        val_ref[c] = jnp.where(has, val, 0.0)
        idx_ref[c] = jnp.where(has, idx.astype(jnp.float32), 0.0)


@functools.partial(jax.jit, static_argnames=())
def kernel(x, learned_edge_states):
    xt = jnp.transpose(x).reshape(N_NODES_, PSUB, PLANE)
    mask = learned_edge_states != 0

    m2 = mask.reshape(N_CMP_, N_NODES_ // 2, 2)
    both = m2.all(axis=2)
    anym = m2.any(axis=2)
    even_masked = m2[:, :, 0]
    all4 = both.reshape(N_CMP_, N_NODES_ // 4, 2).all(axis=2)
    sib4 = all4[:, :, None].repeat(2, axis=2).reshape(N_CMP_, N_NODES_ // 2)
    ip = jnp.arange(N_NODES_ // 2, dtype=jnp.int32)[None, :]
    cand = jnp.where(
        sib4, N_NODES_ + N_NODES_ // 2 + ip // 2,
        jnp.where(both, N_NODES_ + ip,
                  jnp.where(even_masked, 2 * ip, 2 * ip + 1)))
    valid = anym & (jnp.logical_not(sib4) | (ip % 2 == 0))
    counts = jnp.sum(valid.astype(jnp.int32), axis=1)

    pos = jnp.argsort(jnp.logical_not(valid), axis=1, stable=True)
    order = jnp.take_along_axis(cand, pos, axis=1).astype(jnp.int32)
    j = ip
    order = jnp.where(j < counts[:, None], order, order[:, :1])
    order = jnp.concatenate(
        [order,
         jnp.broadcast_to(order[:, :1], (N_CMP_, ORD_PAD - N_NODES_ // 2))],
        axis=1)
    order = order.reshape(N_CMP_ // C_BLK, C_BLK, ORD_PAD)

    cnt_blk = counts.reshape(N_CMP_ // C_BLK, 1, C_BLK)
    trips = ((jnp.max(cnt_blk, axis=2, keepdims=True) + (UNROLL - 1))
             // UNROLL)

    nblk = 128
    keys, pairs, quads = pl.pallas_call(
        _key_build_kernel,
        grid=(N_NODES_ // nblk,),
        in_specs=[pl.BlockSpec((nblk, PSUB, PLANE), lambda i: (i, 0, 0))],
        out_specs=[
            pl.BlockSpec((nblk, PSUB, PLANE), lambda i: (i, 0, 0)),
            pl.BlockSpec((nblk // 2, PSUB, PLANE), lambda i: (i, 0, 0)),
            pl.BlockSpec((nblk // 4, PSUB, PLANE), lambda i: (i, 0, 0)),
        ],
        out_shape=[
            jax.ShapeDtypeStruct((N_NODES_, PSUB, PLANE), jnp.float32),
            jax.ShapeDtypeStruct((N_NODES_ // 2, PSUB, PLANE), jnp.float32),
            jax.ShapeDtypeStruct((N_NODES_ // 4, PSUB, PLANE), jnp.float32),
        ],
    )(xt)
    bank = jnp.concatenate([keys, pairs, quads], axis=0)

    val_t, idx_t = pl.pallas_call(
        _reduce_kernel,
        grid=(N_CMP_ // C_BLK,),
        in_specs=[
            pl.BlockSpec((N_BANK, PSUB, PLANE), lambda i: (0, 0, 0)),
            pl.BlockSpec((1, C_BLK, ORD_PAD), lambda i: (i, 0, 0),
                         memory_space=pltpu.SMEM),
            pl.BlockSpec((1, 1, 1), lambda i: (i, 0, 0),
                         memory_space=pltpu.SMEM),
            pl.BlockSpec((1, 1, C_BLK), lambda i: (i, 0, 0),
                         memory_space=pltpu.SMEM),
        ],
        out_specs=[
            pl.BlockSpec((C_BLK, PSUB, PLANE), lambda i: (i, 0, 0)),
            pl.BlockSpec((C_BLK, PSUB, PLANE), lambda i: (i, 0, 0)),
        ],
        out_shape=[
            jax.ShapeDtypeStruct((N_CMP_, PSUB, PLANE), jnp.float32),
            jax.ShapeDtypeStruct((N_CMP_, PSUB, PLANE), jnp.float32),
        ],
    )(bank, order, trips, cnt_blk)

    new_comp_code = jnp.transpose(val_t.reshape(N_CMP_, N_PTS_))
    premerge_idx = jnp.transpose(idx_t.reshape(N_CMP_, N_PTS_))
    return (new_comp_code, premerge_idx)

# --- scband reference (transcript-rebuilt; emitter-appended) ---
"""Pipeline reference for scband-hnet-max-abs-42271068127508 (READ-ONLY COPY).

The authoritative reference and input builder live on the scoring server;
editing this copy changes nothing except your own understanding.
"""

import jax, jax.numpy as jnp
import numpy as np

N_PTS = 4096
N_NODES = 1024
N_CMP = 1024
EDG_NULL = 0

def setup_inputs(seed: int = 0) -> dict:
    key = jax.random.key(seed)
    k1, k2 = jax.random.split(key)
    x = jax.random.normal(k1, (N_PTS, N_NODES), dtype=jnp.float32)
    learned_edge_states = jax.random.randint(k2, (N_CMP, N_NODES), 0, 3, dtype=jnp.int32)
    return {"x": x, "learned_edge_states": learned_edge_states}

def reference(x, learned_edge_states):
    # mask of non-null edge states (constant learned parameter structure)
    mask = (learned_edge_states != EDG_NULL)
    abs_x = jnp.abs(x)
    neg_inf = jnp.asarray(-jnp.inf, dtype=abs_x.dtype)

    def per_comp(mask_row):
        # restrict |x| to the non-null indices of this component
        masked = jnp.where(mask_row[None, :], abs_x, neg_inf)
        vals = jnp.max(masked, axis=1)
        idxs = jnp.argmax(masked, axis=1)  # original node index of the max (== idx[argmax within subset])
        has = jnp.any(mask_row)
        vals = jnp.where(has, vals, jnp.zeros_like(vals))
        idxs = jnp.where(has, idxs, jnp.zeros_like(idxs))
        return vals, idxs

    vals, idxs = jax.lax.map(per_comp, mask)  # [n_cmp, n_pts]
    newCompCode = jnp.transpose(vals)                      # [n_pts, n_cmp]
    premerge_idx = jnp.transpose(idxs).astype(jnp.float32) # [n_pts, n_cmp] (torch.zeros default float)
    return (newCompCode, premerge_idx)

if __name__ == "__main__":
    import jax
    _d = setup_inputs()
    print(jax.jit(kernel)(*tuple(_d.values())))

</pallas_src>

<mosaic_0001>
module attributes {stable_mosaic.version = 14 : i64} {
  func.func @_key_build_kernel(%arg0: i32, %arg1: memref<128x32x128xf32, #tpu.memory_space<vmem>>, %arg2: memref<128x32x128xf32, #tpu.memory_space<vmem>>, %arg3: memref<64x32x128xf32, #tpu.memory_space<vmem>>, %arg4: memref<32x32x128xf32, #tpu.memory_space<vmem>>) attributes {dimension_semantics = [#tpu.dimension_semantics<arbitrary>], iteration_bounds = array<i64: 8>, scalar_prefetch = 0 : i64, scratch_operands = 0 : i64, tpu.core_type = #tpu.core_type<tc>, window_params = [{transform_indices = @transform_0, window_bounds = array<i64: 128, 32, 128>}, {transform_indices = @transform_1, window_bounds = array<i64: 128, 32, 128>}, {transform_indices = @transform_2, window_bounds = array<i64: 64, 32, 128>}, {transform_indices = @transform_3, window_bounds = array<i64: 32, 32, 128>}]} {
    %get3A = arith.constant 0 : index
    %get3A_0 = arith.constant 0 : index
    %get3A_1 = arith.constant 0 : index
    %get3A_2 = vector.load %arg1[%get3A, %get3A_0, %get3A_1] : memref<128x32x128xf32, #tpu.memory_space<vmem>>, vector<128x32x128xf32>
    %abs3A = math.absf %get3A_2 : vector<128x32x128xf32>
    %add3A = arith.constant 1.000000e+00 : f32
    %add3A_3 = vector.broadcast %add3A : f32 to vector<128x32x128xf32>
    %add3A_4 = arith.addf %abs3A, %add3A_3 : vector<128x32x128xf32>
    %bitcast_convert_type3A = tpu.bitcast %add3A_4 : vector<128x32x128xf32> -> vector<128x32x128xi32>
    %sub3A = arith.constant 1065353216 : i32
    %sub3A_5 = vector.broadcast %sub3A : i32 to vector<128x32x128xi32>
    %sub3A_6 = arith.subi %bitcast_convert_type3A, %sub3A_5 : vector<128x32x128xi32>
    %shift_right_arithmetic3A = arith.constant 4 : i32
    %shift_right_arithmetic3A_7 = vector.broadcast %shift_right_arithmetic3A : i32 to vector<128x32x128xi32>
    %shift_right_arithmetic3A_8 = arith.shrsi %sub3A_6, %shift_right_arithmetic3A_7 : vector<128x32x128xi32>
    %min3A = arith.constant 2088959 : i32
    %min3A_9 = vector.broadcast %min3A : i32 to vector<128x32x128xi32>
    %min3A_10 = arith.minsi %shift_right_arithmetic3A_8, %min3A_9 : vector<128x32x128xi32>
    %mul3A = arith.constant 128 : i32
    %mul3A_11 = arith.muli %arg0, %mul3A : i32
    %iota3A = tpu.iota {dimensions = array<i32: 0>} : vector<128x32x128xi32>
    %add3A_12 = vector.broadcast %mul3A_11 : i32 to vector<128x32x128xi32>
    %add3A_13 = arith.addi %add3A_12, %iota3A : vector<128x32x128xi32>
    %shift_left3A = arith.constant 10 : i32
    %shift_left3A_14 = vector.broadcast %shift_left3A : i32 to vector<128x32x128xi32>
    %shift_left3A_15 = arith.shli %min3A_10, %shift_left3A_14 : vector<128x32x128xi32>
    %sub3A_16 = arith.constant 1023 : i32
    %sub3A_17 = vector.broadcast %sub3A_16 : i32 to vector<128x32x128xi32>
    %sub3A_18 = arith.subi %sub3A_17, %add3A_13 : vector<128x32x128xi32>
    %or3A = arith.ori %shift_left3A_15, %sub3A_18 : vector<128x32x128xi32>
    %bitcast_convert_type3A_19 = tpu.bitcast %or3A : vector<128x32x128xi32> -> vector<128x32x128xf32>
    %swap3A = arith.constant 0 : index
    %swap3A_20 = arith.constant 0 : index
    %swap3A_21 = arith.constant 0 : index
    %swap3A_22 = vector.load %arg2[%swap3A, %swap3A_20, %swap3A_21] : memref<128x32x128xf32, #tpu.memory_space<vmem>>, vector<128x32x128xf32>
    tpu.vector_store %arg2[%swap3A, %swap3A_20, %swap3A_21], %bitcast_convert_type3A_19 {strides = array<i32>} : memref<128x32x128xf32, #tpu.memory_space<vmem>>, vector<128x32x128xf32>,
    %reshape3A = vector.shape_cast %bitcast_convert_type3A_19 : vector<128x32x128xf32> to vector<64x2x32x128xf32>
    %slice3A = vector.extract_strided_slice %reshape3A {offsets = [0, 0, 0, 0], sizes = [64, 1, 32, 128], strides = [1, 1, 1, 1]} : vector<64x2x32x128xf32> to vector<64x1x32x128xf32>
    %squeeze3A = vector.shape_cast %slice3A : vector<64x1x32x128xf32> to vector<64x32x128xf32>
    %slice3A_23 = vector.extract_strided_slice %reshape3A {offsets = [0, 1, 0, 0], sizes = [64, 1, 32, 128], strides = [1, 1, 1, 1]} : vector<64x2x32x128xf32> to vector<64x1x32x128xf32>
    %squeeze3A_24 = vector.shape_cast %slice3A_23 : vector<64x1x32x128xf32> to vector<64x32x128xf32>
    %max3A = arith.maximumf %squeeze3A, %squeeze3A_24 : vector<64x32x128xf32>
    %swap3A_25 = arith.constant 0 : index
    %swap3A_26 = arith.constant 0 : index
    %swap3A_27 = arith.constant 0 : index
    %swap3A_28 = vector.load %arg3[%swap3A_25, %swap3A_26, %swap3A_27] : memref<64x32x128xf32, #tpu.memory_space<vmem>>, vector<64x32x128xf32>
    tpu.vector_store %arg3[%swap3A_25, %swap3A_26, %swap3A_27], %max3A {strides = array<i32>} : memref<64x32x128xf32, #tpu.memory_space<vmem>>, vector<64x32x128xf32>,
    %reshape3A_29 = vector.shape_cast %max3A : vector<64x32x128xf32> to vector<32x2x32x128xf32>
    %slice3A_30 = vector.extract_strided_slice %reshape3A_29 {offsets = [0, 0, 0, 0], sizes = [32, 1, 32, 128], strides = [1, 1, 1, 1]} : vector<32x2x32x128xf32> to vector<32x1x32x128xf32>
    %squeeze3A_31 = vector.shape_cast %slice3A_30 : vector<32x1x32x128xf32> to vector<32x32x128xf32>
    %slice3A_32 = vector.extract_strided_slice %reshape3A_29 {offsets = [0, 1, 0, 0], sizes = [32, 1, 32, 128], strides = [1, 1, 1, 1]} : vector<32x2x32x128xf32> to vector<32x1x32x128xf32>
    %squeeze3A_33 = vector.shape_cast %slice3A_32 : vector<32x1x32x128xf32> to vector<32x32x128xf32>
    %max3A_34 = arith.maximumf %squeeze3A_31, %squeeze3A_33 : vector<32x32x128xf32>
    %swap3A_35 = arith.constant 0 : index
    %swap3A_36 = arith.constant 0 : index
    %swap3A_37 = arith.constant 0 : index
    %swap3A_38 = vector.load %arg4[%swap3A_35, %swap3A_36, %swap3A_37] : memref<32x32x128xf32, #tpu.memory_space<vmem>>, vector<32x32x128xf32>
    tpu.vector_store %arg4[%swap3A_35, %swap3A_36, %swap3A_37], %max3A_34 {strides = array<i32>} : memref<32x32x128xf32, #tpu.memory_space<vmem>>, vector<32x32x128xf32>,
    return
  }
  func.func @transform_0(%arg0: i32) -> (i32, i32, i32) {
    %c0_i32 = arith.constant 0 : i32
    %c0_i32_0 = arith.constant 0 : i32
    %c0_i32_1 = arith.constant 0 : i32
    return %arg0, %c0_i32, %c0_i32_0 : i32, i32, i32
  }
  func.func @transform_1(%arg0: i32) -> (i32, i32, i32) {
    %c0_i32 = arith.constant 0 : i32
    %c0_i32_0 = arith.constant 0 : i32
    %c0_i32_1 = arith.constant 0 : i32
    return %arg0, %c0_i32, %c0_i32_0 : i32, i32, i32
  }
  func.func @transform_2(%arg0: i32) -> (i32, i32, i32) {
    %c0_i32 = arith.constant 0 : i32
    %c0_i32_0 = arith.constant 0 : i32
    %c0_i32_1 = arith.constant 0 : i32
    return %arg0, %c0_i32, %c0_i32_0 : i32, i32, i32
  }
  func.func @transform_3(%arg0: i32) -> (i32, i32, i32) {
    %c0_i32 = arith.constant 0 : i32
    %c0_i32_0 = arith.constant 0 : i32
    %c0_i32_1 = arith.constant 0 : i32
    return %arg0, %c0_i32, %c0_i32_0 : i32, i32, i32
  }
}

module attributes {stable_mosaic.version = 14 : i64} {
  func.func @_reduce_kernel(%arg0: i32, %arg1: memref<1792x32x128xf32, #tpu.memory_space<vmem>>, %arg2: memref<1x4x528xi32, #tpu.memory_space<smem>>, %arg3: memref<1x1x1xi32, #tpu.memory_space<smem>>, %arg4: memref<1x1x4xi32, #tpu.memory_space<smem>>, %arg5: memref<4x32x128xf32, #tpu.memory_space<vmem>>, %arg6: memref<4x32x128xf32, #tpu.memory_space<vmem>>) attributes {dimension_semantics = [#tpu.dimension_semantics<arbitrary>], iteration_bounds = array<i64: 256>, scalar_prefetch = 0 : i64, scratch_operands = 0 : i64, tpu.core_type = #tpu.core_type<tc>, window_params = [{pipeline_mode = #tpu.pipeline_mode<synchronous>, transform_indices = @transform_0, window_bounds = array<i64: 1792, 32, 128>}, {transform_indices = @transform_1, window_bounds = array<i64: 1, 4, 528>}, {transform_indices = @transform_2, window_bounds = array<i64: 1, 1, 1>}, {transform_indices = @transform_3, window_bounds = array<i64: 1, 1, 4>}, {transform_indices = @transform_4, window_bounds = array<i64: 4, 32, 128>}, {transform_indices = @transform_5, window_bounds = array<i64: 4, 32, 128>}]} {
    %get3A = arith.constant 0 : index
    %get3A_0 = arith.constant 0 : index
    %get3A_1 = arith.constant 0 : index
    %get3A_2 = memref.load %arg3[%get3A, %get3A_0, %get3A_1] : memref<1x1x1xi32, #tpu.memory_space<smem>>
    %broadcast_in_dim3A = arith.constant 0.000000e+00 : f32
    %broadcast_in_dim3A_3 = vector.broadcast %broadcast_in_dim3A : f32 to vector<32x128xf32>
    %broadcast_in_dim3A_4 = arith.constant 0.000000e+00 : f32
    %broadcast_in_dim3A_5 = vector.broadcast %broadcast_in_dim3A_4 : f32 to vector<32x128xf32>
    %broadcast_in_dim3A_6 = arith.constant 0.000000e+00 : f32
    %broadcast_in_dim3A_7 = vector.broadcast %broadcast_in_dim3A_6 : f32 to vector<32x128xf32>
    %broadcast_in_dim3A_8 = arith.constant 0.000000e+00 : f32
    %broadcast_in_dim3A_9 = vector.broadcast %broadcast_in_dim3A_8 : f32 to vector<32x128xf32>
    %get3A_10 = arith.constant 0 : index
    %get3A_11 = arith.constant 0 : index
    %get3A_12 = arith.constant 0 : index
    %get3A_13 = memref.load %arg2[%get3A_10, %get3A_11, %get3A_12] : memref<1x4x528xi32, #tpu.memory_space<smem>>
    %get3A_14 = arith.index_cast %get3A_13 : i32 to index
    %get3A_15 = arith.constant 0 : index
    %get3A_16 = arith.constant 0 : index
    %get3A_17 = vector.load %arg1[%get3A_14, %get3A_15, %get3A_16] : memref<1792x32x128xf32, #tpu.memory_space<vmem>>, vector<1x32x128xf32>
    %get3A_18 = vector.shape_cast %get3A_17 : vector<1x32x128xf32> to vector<32x128xf32>
    %get3A_19 = arith.constant 0 : index
    %get3A_20 = arith.constant 1 : index
    %get3A_21 = arith.constant 0 : index
    %get3A_22 = memref.load %arg2[%get3A_19, %get3A_20, %get3A_21] : memref<1x4x528xi32, #tpu.memory_space<smem>>
    %get3A_23 = arith.index_cast %get3A_22 : i32 to index
    %get3A_24 = arith.constant 0 : index
    %get3A_25 = arith.constant 0 : index
    %get3A_26 = vector.load %arg1[%get3A_23, %get3A_24, %get3A_25] : memref<1792x32x128xf32, #tpu.memory_space<vmem>>, vector<1x32x128xf32>
    %get3A_27 = vector.shape_cast %get3A_26 : vector<1x32x128xf32> to vector<32x128xf32>
    %get3A_28 = arith.constant 0 : index
    %get3A_29 = arith.constant 2 : index
    %get3A_30 = arith.constant 0 : index
    %get3A_31 = memref.load %arg2[%get3A_28, %get3A_29, %get3A_30] : memref<1x4x528xi32, #tpu.memory_space<smem>>
    %get3A_32 = arith.index_cast %get3A_31 : i32 to index
    %get3A_33 = arith.constant 0 : index
    %get3A_34 = arith.constant 0 : index
    %get3A_35 = vector.load %arg1[%get3A_32, %get3A_33, %get3A_34] : memref<1792x32x128xf32, #tpu.memory_space<vmem>>, vector<1x32x128xf32>
    %get3A_36 = vector.shape_cast %get3A_35 : vector<1x32x128xf32> to vector<32x128xf32>
    %get3A_37 = arith.constant 0 : index
    %get3A_38 = arith.constant 3 : index
    %get3A_39 = arith.constant 0 : index
    %get3A_40 = memref.load %arg2[%get3A_37, %get3A_38, %get3A_39] : memref<1x4x528xi32, #tpu.memory_space<smem>>
    %get3A_41 = arith.index_cast %get3A_40 : i32 to index
    %get3A_42 = arith.constant 0 : index
    %get3A_43 = arith.constant 0 : index
    %get3A_44 = vector.load %arg1[%get3A_41, %get3A_42, %get3A_43] : memref<1792x32x128xf32, #tpu.memory_space<vmem>>, vector<1x32x128xf32>
    %get3A_45 = vector.shape_cast %get3A_44 : vector<1x32x128xf32> to vector<32x128xf32>
    %get3A_46 = arith.constant 0 : index
    %get3A_47 = arith.constant 0 : index
    %get3A_48 = arith.constant 1 : index
    %get3A_49 = memref.load %arg2[%get3A_46, %get3A_47, %get3A_48] : memref<1x4x528xi32, #tpu.memory_space<smem>>
    %get3A_50 = arith.constant 0 : index
    %get3A_51 = arith.constant 1 : index
    %get3A_52 = arith.constant 1 : index
    %get3A_53 = memref.load %arg2[%get3A_50, %get3A_51, %get3A_52] : memref<1x4x528xi32, #tpu.memory_space<smem>>
    %get3A_54 = arith.constant 0 : index
    %get3A_55 = arith.constant 2 : index
    %get3A_56 = arith.constant 1 : index
    %get3A_57 = memref.load %arg2[%get3A_54, %get3A_55, %get3A_56] : memref<1x4x528xi32, #tpu.memory_space<smem>>
    %get3A_58 = arith.constant 0 : index
    %get3A_59 = arith.constant 3 : index
    %get3A_60 = arith.constant 1 : index
    %get3A_61 = memref.load %arg2[%get3A_58, %get3A_59, %get3A_60] : memref<1x4x528xi32, #tpu.memory_space<smem>>
    %add3A = arith.constant 4 : i32
    %add3A_62 = arith.addi %get3A_2, %add3A : i32
    %sub3A = arith.constant 1 : i32
    %sub3A_63 = arith.subi %add3A_62, %sub3A : i32
    %jit3A = arith.constant 4 : i32
    %div3A = arith.divsi %sub3A_63, %jit3A : i32
    %sign3A = arith.constant 0 : i32
    %sign3A_64 = arith.cmpi sgt, %sub3A_63, %sign3A : i32
    %sign3A_65 = arith.extui %sign3A_64 : i1 to i32
    %sign3A_66 = arith.constant 0 : i32
    %sign3A_67 = arith.cmpi slt, %sub3A_63, %sign3A_66 : i32
    %sign3A_68 = arith.extui %sign3A_67 : i1 to i32
    %sign3A_69 = arith.subi %sign3A_65, %sign3A_68 : i32
    %sign3A_70 = arith.constant 0 : i32
    %sign3A_71 = arith.cmpi sgt, %jit3A, %sign3A_70 : i32
    %sign3A_72 = arith.extui %sign3A_71 : i1 to i32
    %sign3A_73 = arith.constant 0 : i32
    %sign3A_74 = arith.cmpi slt, %jit3A, %sign3A_73 : i32
    %sign3A_75 = arith.extui %sign3A_74 : i1 to i32
    %sign3A_76 = arith.subi %sign3A_72, %sign3A_75 : i32
    %ne3A = arith.cmpi ne, %sign3A_69, %sign3A_76 : i32
    %rem3A = arith.remsi %sub3A_63, %jit3A : i32
    %ne3A_77 = arith.constant 0 : i32
    %ne3A_78 = arith.cmpi ne, %rem3A, %ne3A_77 : i32
    %and3A = arith.andi %ne3A, %ne3A_78 : i1
    %sub3A_79 = arith.constant 1 : i32
    %sub3A_80 = arith.subi %div3A, %sub3A_79 : i32
    %select_n3A = arith.select %and3A, %sub3A_80, %div3A : i32
    %while3A = arith.constant 0 : i32
    %while3A_81 = arith.subi %select_n3A, %while3A : i32
    %while3A_82 = arith.addi %while3A, %while3A_81 : i32
    %while3A_83 = arith.constant 1 : i32
    %while3A_84 = arith.divsi %while3A_81, %while3A_83 : i32
    %while3A_85 = arith.muli %while3A_84, %while3A_83 : i32
    %while3A_86 = arith.addi %while3A, %while3A_85 : i32
    %while3A_87 = arith.constant 1 : i32
    %while3A_88:12 = scf.for %while3A_265 = %while3A to %while3A_86 step %while3A_87 iter_args(%while3A_266 = %broadcast_in_dim3A_3, %while3A_267 = %broadcast_in_dim3A_5, %while3A_268 = %broadcast_in_dim3A_7, %while3A_269 = %broadcast_in_dim3A_9, %while3A_270 = %get3A_18, %while3A_271 = %get3A_27, %while3A_272 = %get3A_36, %while3A_273 = %get3A_45, %while3A_274 = %get3A_49, %while3A_275 = %get3A_53, %while3A_276 = %get3A_57, %while3A_277 = %get3A_61) -> (vector<32x128xf32>, vector<32x128xf32>, vector<32x128xf32>, vector<32x128xf32>, vector<32x128xf32>, vector<32x128xf32>, vector<32x128xf32>, vector<32x128xf32>, i32, i32, i32, i32)  : i32 {
      %mul3A = arith.constant 4 : i32
      %mul3A_278 = arith.muli %while3A_265, %mul3A : i32
      %add3A_279 = arith.constant 0 : i32
      %add3A_280 = arith.addi %mul3A_278, %add3A_279 : i32
      %add3A_281 = arith.constant 2 : i32
      %add3A_282 = arith.addi %add3A_280, %add3A_281 : i32
      %get3A_283 = arith.constant 0 : index
      %get3A_284 = arith.constant 0 : index
      %get3A_285 = arith.index_cast %add3A_282 : i32 to index
      %get3A_286 = memref.load %arg2[%get3A_283, %get3A_284, %get3A_285] : memref<1x4x528xi32, #tpu.memory_space<smem>>
      %add3A_287 = arith.constant 0 : i32
      %add3A_288 = arith.addi %mul3A_278, %add3A_287 : i32
      %add3A_289 = arith.constant 2 : i32
      %add3A_290 = arith.addi %add3A_288, %add3A_289 : i32
      %get3A_291 = arith.constant 0 : index
      %get3A_292 = arith.constant 1 : index
      %get3A_293 = arith.index_cast %add3A_290 : i32 to index
      %get3A_294 = memref.load %arg2[%get3A_291, %get3A_292, %get3A_293] : memref<1x4x528xi32, #tpu.memory_space<smem>>
      %add3A_295 = arith.constant 0 : i32
      %add3A_296 = arith.addi %mul3A_278, %add3A_295 : i32
      %add3A_297 = arith.constant 2 : i32
      %add3A_298 = arith.addi %add3A_296, %add3A_297 : i32
      %get3A_299 = arith.constant 0 : index
      %get3A_300 = arith.constant 2 : index
      %get3A_301 = arith.index_cast %add3A_298 : i32 to index
      %get3A_302 = memref.load %arg2[%get3A_299, %get3A_300, %get3A_301] : memref<1x4x528xi32, #tpu.memory_space<smem>>
      %add3A_303 = arith.constant 0 : i32
      %add3A_304 = arith.addi %mul3A_278, %add3A_303 : i32
      %add3A_305 = arith.constant 2 : i32
      %add3A_306 = arith.addi %add3A_304, %add3A_305 : i32
      %get3A_307 = arith.constant 0 : index
      %get3A_308 = arith.constant 3 : index
      %get3A_309 = arith.index_cast %add3A_306 : i32 to index
      %get3A_310 = memref.load %arg2[%get3A_307, %get3A_308, %get3A_309] : memref<1x4x528xi32, #tpu.memory_space<smem>>
      %get3A_311 = arith.index_cast %while3A_274 : i32 to index
      %get3A_312 = arith.constant 0 : index
      %get3A_313 = arith.constant 0 : index
      %get3A_314 = vector.load %arg1[%get3A_311, %get3A_312, %get3A_313] : memref<1792x32x128xf32, #tpu.memory_space<vmem>>, vector<1x32x128xf32>
      %get3A_315 = vector.shape_cast %get3A_314 : vector<1x32x128xf32> to vector<32x128xf32>
      %get3A_316 = arith.index_cast %while3A_275 : i32 to index
      %get3A_317 = arith.constant 0 : index
      %get3A_318 = arith.constant 0 : index
      %get3A_319 = vector.load %arg1[%get3A_316, %get3A_317, %get3A_318] : memref<1792x32x128xf32, #tpu.memory_space<vmem>>, vector<1x32x128xf32>
      %get3A_320 = vector.shape_cast %get3A_319 : vector<1x32x128xf32> to vector<32x128xf32>
      %get3A_321 = arith.index_cast %while3A_276 : i32 to index
      %get3A_322 = arith.constant 0 : index
      %get3A_323 = arith.constant 0 : index
      %get3A_324 = vector.load %arg1[%get3A_321, %get3A_322, %get3A_323] : memref<1792x32x128xf32, #tpu.memory_space<vmem>>, vector<1x32x128xf32>
      %get3A_325 = vector.shape_cast %get3A_324 : vector<1x32x128xf32> to vector<32x128xf32>
      %get3A_326 = arith.index_cast %while3A_277 : i32 to index
      %get3A_327 = arith.constant 0 : index
      %get3A_328 = arith.constant 0 : index
      %get3A_329 = vector.load %arg1[%get3A_326, %get3A_327, %get3A_328] : memref<1792x32x128xf32, #tpu.memory_space<vmem>>, vector<1x32x128xf32>
      %get3A_330 = vector.shape_cast %get3A_329 : vector<1x32x128xf32> to vector<32x128xf32>
      %max3A = arith.maximumf %while3A_266, %while3A_270 : vector<32x128xf32>
      %max3A_331 = arith.maximumf %while3A_267, %while3A_271 : vector<32x128xf32>
      %max3A_332 = arith.maximumf %while3A_268, %while3A_272 : vector<32x128xf32>
      %max3A_333 = arith.maximumf %while3A_269, %while3A_273 : vector<32x128xf32>
      %add3A_334 = arith.constant 1 : i32
      %add3A_335 = arith.addi %mul3A_278, %add3A_334 : i32
      %add3A_336 = arith.constant 2 : i32
      %add3A_337 = arith.addi %add3A_335, %add3A_336 : i32
      %get3A_338 = arith.constant 0 : index
      %get3A_339 = arith.constant 0 : index
      %get3A_340 = arith.index_cast %add3A_337 : i32 to index
      %get3A_341 = memref.load %arg2[%get3A_338, %get3A_339, %get3A_340] : memref<1x4x528xi32, #tpu.memory_space<smem>>
      %add3A_342 = arith.constant 1 : i32
      %add3A_343 = arith.addi %mul3A_278, %add3A_342 : i32
      %add3A_344 = arith.constant 2 : i32
      %add3A_345 = arith.addi %add3A_343, %add3A_344 : i32
      %get3A_346 = arith.constant 0 : index
      %get3A_347 = arith.constant 1 : index
      %get3A_348 = arith.index_cast %add3A_345 : i32 to index
      %get3A_349 = memref.load %arg2[%get3A_346, %get3A_347, %get3A_348] : memref<1x4x528xi32, #tpu.memory_space<smem>>
      %add3A_350 = arith.constant 1 : i32
      %add3A_351 = arith.addi %mul3A_278, %add3A_350 : i32
      %add3A_352 = arith.constant 2 : i32
      %add3A_353 = arith.addi %add3A_351, %add3A_352 : i32
      %get3A_354 = arith.constant 0 : index
      %get3A_355 = arith.constant 2 : index
      %get3A_356 = arith.index_cast %add3A_353 : i32 to index
      %get3A_357 = memref.load %arg2[%get3A_354, %get3A_355, %get3A_356] : memref<1x4x528xi32, #tpu.memory_space<smem>>
      %add3A_358 = arith.constant 1 : i32
      %add3A_359 = arith.addi %mul3A_278, %add3A_358 : i32
      %add3A_360 = arith.constant 2 : i32
      %add3A_361 = arith.addi %add3A_359, %add3A_360 : i32
      %get3A_362 = arith.constant 0 : index
      %get3A_363 = arith.constant 3 : index
      %get3A_364 = arith.index_cast %add3A_361 : i32 to index
      %get3A_365 = memref.load %arg2[%get3A_362, %get3A_363, %get3A_364] : memref<1x4x528xi32, #tpu.memory_space<smem>>
      %get3A_366 = arith.index_cast %get3A_286 : i32 to index
      %get3A_367 = arith.constant 0 : index
      %get3A_368 = arith.constant 0 : index
      %get3A_369 = vector.load %arg1[%get3A_366, %get3A_367, %get3A_368] : memref<1792x32x128xf32, #tpu.memory_space<vmem>>, vector<1x32x128xf32>
      %get3A_370 = vector.shape_cast %get3A_369 : vector<1x32x128xf32> to vector<32x128xf32>
      %get3A_371 = arith.index_cast %get3A_294 : i32 to index
      %get3A_372 = arith.constant 0 : index
      %get3A_373 = arith.constant 0 : index
      %get3A_374 = vector.load %arg1[%get3A_371, %get3A_372, %get3A_373] : memref<1792x32x128xf32, #tpu.memory_space<vmem>>, vector<1x32x128xf32>
      %get3A_375 = vector.shape_cast %get3A_374 : vector<1x32x128xf32> to vector<32x128xf32>
      %get3A_376 = arith.index_cast %get3A_302 : i32 to index
      %get3A_377 = arith.constant 0 : index
      %get3A_378 = arith.constant 0 : index
      %get3A_379 = vector.load %arg1[%get3A_376, %get3A_377, %get3A_378] : memref<1792x32x128xf32, #tpu.memory_space<vmem>>, vector<1x32x128xf32>
      %get3A_380 = vector.shape_cast %get3A_379 : vector<1x32x128xf32> to vector<32x128xf32>
      %get3A_381 = arith.index_cast %get3A_310 : i32 to index
      %get3A_382 = arith.constant 0 : index
      %get3A_383 = arith.constant 0 : index
      %get3A_384 = vector.load %arg1[%get3A_381, %get3A_382, %get3A_383] : memref<1792x32x128xf32, #tpu.memory_space<vmem>>, vector<1x32x128xf32>
      %get3A_385 = vector.shape_cast %get3A_384 : vector<1x32x128xf32> to vector<32x128xf32>
      %max3A_386 = arith.maximumf %max3A, %get3A_315 : vector<32x128xf32>
      %max3A_387 = arith.maximumf %max3A_331, %get3A_320 : vector<32x128xf32>
      %max3A_388 = arith.maximumf %max3A_332, %get3A_325 : vector<32x128xf32>
      %max3A_389 = arith.maximumf %max3A_333, %get3A_330 : vector<32x128xf32>
      %add3A_390 = arith.constant 2 : i32
      %add3A_391 = arith.addi %mul3A_278, %add3A_390 : i32
      %add3A_392 = arith.constant 2 : i32
      %add3A_393 = arith.addi %add3A_391, %add3A_392 : i32
      %get3A_394 = arith.constant 0 : index
      %get3A_395 = arith.constant 0 : index
      %get3A_396 = arith.index_cast %add3A_393 : i32 to index
      %get3A_397 = memref.load %arg2[%get3A_394, %get3A_395, %get3A_396] : memref<1x4x528xi32, #tpu.memory_space<smem>>
      %add3A_398 = arith.constant 2 : i32
      %add3A_399 = arith.addi %mul3A_278, %add3A_398 : i32
      %add3A_400 = arith.constant 2 : i32
      %add3A_401 = arith.addi %add3A_399, %add3A_400 : i32
      %get3A_402 = arith.constant 0 : index
      %get3A_403 = arith.constant 1 : index
      %get3A_404 = arith.index_cast %add3A_401 : i32 to index
      %get3A_405 = memref.load %arg2[%get3A_402, %get3A_403, %get3A_404] : memref<1x4x528xi32, #tpu.memory_space<smem>>
      %add3A_406 = arith.constant 2 : i32
      %add3A_407 = arith.addi %mul3A_278, %add3A_406 : i32
      %add3A_408 = arith.constant 2 : i32
      %add3A_409 = arith.addi %add3A_407, %add3A_408 : i32
      %get3A_410 = arith.constant 0 : index
      %get3A_411 = arith.constant 2 : index
      %get3A_412 = arith.index_cast %add3A_409 : i32 to index
      %get3A_413 = memref.load %arg2[%get3A_410, %get3A_411, %get3A_412] : memref<1x4x528xi32, #tpu.memory_space<smem>>
      %add3A_414 = arith.constant 2 : i32
      %add3A_415 = arith.addi %mul3A_278, %add3A_414 : i32
      %add3A_416 = arith.constant 2 : i32
      %add3A_417 = arith.addi %add3A_415, %add3A_416 : i32
      %get3A_418 = arith.constant 0 : index
      %get3A_419 = arith.constant 3 : index
      %get3A_420 = arith.index_cast %add3A_417 : i32 to index
      %get3A_421 = memref.load %arg2[%get3A_418, %get3A_419, %get3A_420] : memref<1x4x528xi32, #tpu.memory_space<smem>>
      %get3A_422 = arith.index_cast %get3A_341 : i32 to index
      %get3A_423 = arith.constant 0 : index
      %get3A_424 = arith.constant 0 : index
      %get3A_425 = vector.load %arg1[%get3A_422, %get3A_423, %get3A_424] : memref<1792x32x128xf32, #tpu.memory_space<vmem>>, vector<1x32x128xf32>
      %get3A_426 = vector.shape_cast %get3A_425 : vector<1x32x128xf32> to vector<32x128xf32>
      %get3A_427 = arith.index_cast %get3A_349 : i32 to index
      %get3A_428 = arith.constant 0 : index
      %get3A_429 = arith.constant 0 : index
      %get3A_430 = vector.load %arg1[%get3A_427, %get3A_428, %get3A_429] : memref<1792x32x128xf32, #tpu.memory_space<vmem>>, vector<1x32x128xf32>
      %get3A_431 = vector.shape_cast %get3A_430 : vector<1x32x128xf32> to vector<32x128xf32>
      %get3A_432 = arith.index_cast %get3A_357 : i32 to index
      %get3A_433 = arith.constant 0 : index
      %get3A_434 = arith.constant 0 : index
      %get3A_435 = vector.load %arg1[%get3A_432, %get3A_433, %get3A_434] : memref<1792x32x128xf32, #tpu.memory_space<vmem>>, vector<1x32x128xf32>
      %get3A_436 = vector.shape_cast %get3A_435 : vector<1x32x128xf32> to vector<32x128xf32>
      %get3A_437 = arith.index_cast %get3A_365 : i32 to index
      %get3A_438 = arith.constant 0 : index
      %get3A_439 = arith.constant 0 : index
      %get3A_440 = vector.load %arg1[%get3A_437, %get3A_438, %get3A_439] : memref<1792x32x128xf32, #tpu.memory_space<vmem>>, vector<1x32x128xf32>
      %get3A_441 = vector.shape_cast %get3A_440 : vector<1x32x128xf32> to vector<32x128xf32>
      %max3A_442 = arith.maximumf %max3A_386, %get3A_370 : vector<32x128xf32>
      %max3A_443 = arith.maximumf %max3A_387, %get3A_375 : vector<32x128xf32>
      %max3A_444 = arith.maximumf %max3A_388, %get3A_380 : vector<32x128xf32>
      %max3A_445 = arith.maximumf %max3A_389, %get3A_385 : vector<32x128xf32>
      %add3A_446 = arith.constant 3 : i32
      %add3A_447 = arith.addi %mul3A_278, %add3A_446 : i32
      %add3A_448 = arith.constant 2 : i32
      %add3A_449 = arith.addi %add3A_447, %add3A_448 : i32
      %get3A_450 = arith.constant 0 : index
      %get3A_451 = arith.constant 0 : index
      %get3A_452 = arith.index_cast %add3A_449 : i32 to index
      %get3A_453 = memref.load %arg2[%get3A_450, %get3A_451, %get3A_452] : memref<1x4x528xi32, #tpu.memory_space<smem>>
      %add3A_454 = arith.constant 3 : i32
      %add3A_455 = arith.addi %mul3A_278, %add3A_454 : i32
      %add3A_456 = arith.constant 2 : i32
      %add3A_457 = arith.addi %add3A_455, %add3A_456 : i32
      %get3A_458 = arith.constant 0 : index
      %get3A_459 = arith.constant 1 : index
      %get3A_460 = arith.index_cast %add3A_457 : i32 to index
      %get3A_461 = memref.load %arg2[%get3A_458, %get3A_459, %get3A_460] : memref<1x4x528xi32, #tpu.memory_space<smem>>
      %add3A_462 = arith.constant 3 : i32
      %add3A_463 = arith.addi %mul3A_278, %add3A_462 : i32
      %add3A_464 = arith.constant 2 : i32
      %add3A_465 = arith.addi %add3A_463, %add3A_464 : i32
      %get3A_466 = arith.constant 0 : index
      %get3A_467 = arith.constant 2 : index
      %get3A_468 = arith.index_cast %add3A_465 : i32 to index
      %get3A_469 = memref.load %arg2[%get3A_466, %get3A_467, %get3A_468] : memref<1x4x528xi32, #tpu.memory_space<smem>>
      %add3A_470 = arith.constant 3 : i32
      %add3A_471 = arith.addi %mul3A_278, %add3A_470 : i32
      %add3A_472 = arith.constant 2 : i32
      %add3A_473 = arith.addi %add3A_471, %add3A_472 : i32
      %get3A_474 = arith.constant 0 : index
      %get3A_475 = arith.constant 3 : index
      %get3A_476 = arith.index_cast %add3A_473 : i32 to index
      %get3A_477 = memref.load %arg2[%get3A_474, %get3A_475, %get3A_476] : memref<1x4x528xi32, #tpu.memory_space<smem>>
      %get3A_478 = arith.index_cast %get3A_397 : i32 to index
      %get3A_479 = arith.constant 0 : index
      %get3A_480 = arith.constant 0 : index
      %get3A_481 = vector.load %arg1[%get3A_478, %get3A_479, %get3A_480] : memref<1792x32x128xf32, #tpu.memory_space<vmem>>, vector<1x32x128xf32>
      %get3A_482 = vector.shape_cast %get3A_481 : vector<1x32x128xf32> to vector<32x128xf32>
      %get3A_483 = arith.index_cast %get3A_405 : i32 to index
      %get3A_484 = arith.constant 0 : index
      %get3A_485 = arith.constant 0 : index
      %get3A_486 = vector.load %arg1[%get3A_483, %get3A_484, %get3A_485] : memref<1792x32x128xf32, #tpu.memory_space<vmem>>, vector<1x32x128xf32>
      %get3A_487 = vector.shape_cast %get3A_486 : vector<1x32x128xf32> to vector<32x128xf32>
      %get3A_488 = arith.index_cast %get3A_413 : i32 to index
      %get3A_489 = arith.constant 0 : index
      %get3A_490 = arith.constant 0 : index
      %get3A_491 = vector.load %arg1[%get3A_488, %get3A_489, %get3A_490] : memref<1792x32x128xf32, #tpu.memory_space<vmem>>, vector<1x32x128xf32>
      %get3A_492 = vector.shape_cast %get3A_491 : vector<1x32x128xf32> to vector<32x128xf32>
      %get3A_493 = arith.index_cast %get3A_421 : i32 to index
      %get3A_494 = arith.constant 0 : index
      %get3A_495 = arith.constant 0 : index
      %get3A_496 = vector.load %arg1[%get3A_493, %get3A_494, %get3A_495] : memref<1792x32x128xf32, #tpu.memory_space<vmem>>, vector<1x32x128xf32>
      %get3A_497 = vector.shape_cast %get3A_496 : vector<1x32x128xf32> to vector<32x128xf32>
      %max3A_498 = arith.maximumf %max3A_442, %get3A_426 : vector<32x128xf32>
      %max3A_499 = arith.maximumf %max3A_443, %get3A_431 : vector<32x128xf32>
      %max3A_500 = arith.maximumf %max3A_444, %get3A_436 : vector<32x128xf32>
      %max3A_501 = arith.maximumf %max3A_445, %get3A_441 : vector<32x128xf32>
      scf.yield %max3A_498, %max3A_499, %max3A_500, %max3A_501, %get3A_482, %get3A_487, %get3A_492, %get3A_497, %get3A_453, %get3A_461, %get3A_469, %get3A_477 : vector<32x128xf32>, vector<32x128xf32>, vector<32x128xf32>, vector<32x128xf32>, vector<32x128xf32>, vector<32x128xf32>, vector<32x128xf32>, vector<32x128xf32>, i32, i32, i32, i32
    }
    %while3A_89 = arith.constant 1 : i32
    %while3A_90:12 = scf.for %while3A_265 = %while3A_86 to %while3A_82 step %while3A_89 iter_args(%while3A_266 = %while3A_88#0, %while3A_267 = %while3A_88#1, %while3A_268 = %while3A_88#2, %while3A_269 = %while3A_88#3, %while3A_270 = %while3A_88#4, %while3A_271 = %while3A_88#5, %while3A_272 = %while3A_88#6, %while3A_273 = %while3A_88#7, %while3A_274 = %while3A_88#8, %while3A_275 = %while3A_88#9, %while3A_276 = %while3A_88#10, %while3A_277 = %while3A_88#11) -> (vector<32x128xf32>, vector<32x128xf32>, vector<32x128xf32>, vector<32x128xf32>, vector<32x128xf32>, vector<32x128xf32>, vector<32x128xf32>, vector<32x128xf32>, i32, i32, i32, i32)  : i32 {
      %mul3A = arith.constant 4 : i32
      %mul3A_278 = arith.muli %while3A_265, %mul3A : i32
      %add3A_279 = arith.constant 0 : i32
      %add3A_280 = arith.addi %mul3A_278, %add3A_279 : i32
      %add3A_281 = arith.constant 2 : i32
      %add3A_282 = arith.addi %add3A_280, %add3A_281 : i32
      %get3A_283 = arith.constant 0 : index
      %get3A_284 = arith.constant 0 : index
      %get3A_285 = arith.index_cast %add3A_282 : i32 to index
      %get3A_286 = memref.load %arg2[%get3A_283, %get3A_284, %get3A_285] : memref<1x4x528xi32, #tpu.memory_space<smem>>
      %add3A_287 = arith.constant 0 : i32
      %add3A_288 = arith.addi %mul3A_278, %add3A_287 : i32
      %add3A_289 = arith.constant 2 : i32
      %add3A_290 = arith.addi %add3A_288, %add3A_289 : i32
      %get3A_291 = arith.constant 0 : index
      %get3A_292 = arith.constant 1 : index
      %get3A_293 = arith.index_cast %add3A_290 : i32 to index
      %get3A_294 = memref.load %arg2[%get3A_291, %get3A_292, %get3A_293] : memref<1x4x528xi32, #tpu.memory_space<smem>>
      %add3A_295 = arith.constant 0 : i32
      %add3A_296 = arith.addi %mul3A_278, %add3A_295 : i32
      %add3A_297 = arith.constant 2 : i32
      %add3A_298 = arith.addi %add3A_296, %add3A_297 : i32
      %get3A_299 = arith.constant 0 : index
      %get3A_300 = arith.constant 2 : index
      %get3A_301 = arith.index_cast %add3A_298 : i32 to index
      %get3A_302 = memref.load %arg2[%get3A_299, %get3A_300, %get3A_301] : memref<1x4x528xi32, #tpu.memory_space<smem>>
      %add3A_303 = arith.constant 0 : i32
      %add3A_304 = arith.addi %mul3A_278, %add3A_303 : i32
      %add3A_305 = arith.constant 2 : i32
      %add3A_306 = arith.addi %add3A_304, %add3A_305 : i32
      %get3A_307 = arith.constant 0 : index
      %get3A_308 = arith.constant 3 : index
      %get3A_309 = arith.index_cast %add3A_306 : i32 to index
      %get3A_310 = memref.load %arg2[%get3A_307, %get3A_308, %get3A_309] : memref<1x4x528xi32, #tpu.memory_space<smem>>
      %get3A_311 = arith.index_cast %while3A_274 : i32 to index
      %get3A_312 = arith.constant 0 : index
      %get3A_313 = arith.constant 0 : index
      %get3A_314 = vector.load %arg1[%get3A_311, %get3A_312, %get3A_313] : memref<1792x32x128xf32, #tpu.memory_space<vmem>>, vector<1x32x128xf32>
      %get3A_315 = vector.shape_cast %get3A_314 : vector<1x32x128xf32> to vector<32x128xf32>
      %get3A_316 = arith.index_cast %while3A_275 : i32 to index
      %get3A_317 = arith.constant 0 : index
      %get3A_318 = arith.constant 0 : index
      %get3A_319 = vector.load %arg1[%get3A_316, %get3A_317, %get3A_318] : memref<1792x32x128xf32, #tpu.memory_space<vmem>>, vector<1x32x128xf32>
      %get3A_320 = vector.shape_cast %get3A_319 : vector<1x32x128xf32> to vector<32x128xf32>
      %get3A_321 = arith.index_cast %while3A_276 : i32 to index
      %get3A_322 = arith.constant 0 : index
      %get3A_323 = arith.constant 0 : index
      %get3A_324 = vector.load %arg1[%get3A_321, %get3A_322, %get3A_323] : memref<1792x32x128xf32, #tpu.memory_space<vmem>>, vector<1x32x128xf32>
      %get3A_325 = vector.shape_cast %get3A_324 : vector<1x32x128xf32> to vector<32x128xf32>
      %get3A_326 = arith.index_cast %while3A_277 : i32 to index
      %get3A_327 = arith.constant 0 : index
      %get3A_328 = arith.constant 0 : index
      %get3A_329 = vector.load %arg1[%get3A_326, %get3A_327, %get3A_328] : memref<1792x32x128xf32, #tpu.memory_space<vmem>>, vector<1x32x128xf32>
      %get3A_330 = vector.shape_cast %get3A_329 : vector<1x32x128xf32> to vector<32x128xf32>
      %max3A = arith.maximumf %while3A_266, %while3A_270 : vector<32x128xf32>
      %max3A_331 = arith.maximumf %while3A_267, %while3A_271 : vector<32x128xf32>
      %max3A_332 = arith.maximumf %while3A_268, %while3A_272 : vector<32x128xf32>
      %max3A_333 = arith.maximumf %while3A_269, %while3A_273 : vector<32x128xf32>
      %add3A_334 = arith.constant 1 : i32
      %add3A_335 = arith.addi %mul3A_278, %add3A_334 : i32
      %add3A_336 = arith.constant 2 : i32
      %add3A_337 = arith.addi %add3A_335, %add3A_336 : i32
      %get3A_338 = arith.constant 0 : index
      %get3A_339 = arith.constant 0 : index
      %get3A_340 = arith.index_cast %add3A_337 : i32 to index
      %get3A_341 = memref.load %arg2[%get3A_338, %get3A_339, %get3A_340] : memref<1x4x528xi32, #tpu.memory_space<smem>>
      %add3A_342 = arith.constant 1 : i32
      %add3A_343 = arith.addi %mul3A_278, %add3A_342 : i32
      %add3A_344 = arith.constant 2 : i32
      %add3A_345 = arith.addi %add3A_343, %add3A_344 : i32
      %get3A_346 = arith.constant 0 : index
      %get3A_347 = arith.constant 1 : index
      %get3A_348 = arith.index_cast %add3A_345 : i32 to index
      %get3A_349 = memref.load %arg2[%get3A_346, %get3A_347, %get3A_348] : memref<1x4x528xi32, #tpu.memory_space<smem>>
      %add3A_350 = arith.constant 1 : i32
      %add3A_351 = arith.addi %mul3A_278, %add3A_350 : i32
      %add3A_352 = arith.constant 2 : i32
      %add3A_353 = arith.addi %add3A_351, %add3A_352 : i32
      %get3A_354 = arith.constant 0 : index
      %get3A_355 = arith.constant 2 : index
      %get3A_356 = arith.index_cast %add3A_353 : i32 to index
      %get3A_357 = memref.load %arg2[%get3A_354, %get3A_355, %get3A_356] : memref<1x4x528xi32, #tpu.memory_space<smem>>
      %add3A_358 = arith.constant 1 : i32
      %add3A_359 = arith.addi %mul3A_278, %add3A_358 : i32
      %add3A_360 = arith.constant 2 : i32
      %add3A_361 = arith.addi %add3A_359, %add3A_360 : i32
      %get3A_362 = arith.constant 0 : index
      %get3A_363 = arith.constant 3 : index
      %get3A_364 = arith.index_cast %add3A_361 : i32 to index
      %get3A_365 = memref.load %arg2[%get3A_362, %get3A_363, %get3A_364] : memref<1x4x528xi32, #tpu.memory_space<smem>>
      %get3A_366 = arith.index_cast %get3A_286 : i32 to index
      %get3A_367 = arith.constant 0 : index
      %get3A_368 = arith.constant 0 : index
      %get3A_369 = vector.load %arg1[%get3A_366, %get3A_367, %get3A_368] : memref<1792x32x128xf32, #tpu.memory_space<vmem>>, vector<1x32x128xf32>
      %get3A_370 = vector.shape_cast %get3A_369 : vector<1x32x128xf32> to vector<32x128xf32>
      %get3A_371 = arith.index_cast %get3A_294 : i32 to index
      %get3A_372 = arith.constant 0 : index
      %get3A_373 = arith.constant 0 : index
      %get3A_374 = vector.load %arg1[%get3A_371, %get3A_372, %get3A_373] : memref<1792x32x128xf32, #tpu.memory_space<vmem>>, vector<1x32x128xf32>
      %get3A_375 = vector.shape_cast %get3A_374 : vector<1x32x128xf32> to vector<32x128xf32>
      %get3A_376 = arith.index_cast %get3A_302 : i32 to index
      %get3A_377 = arith.constant 0 : index
      %get3A_378 = arith.constant 0 : index
      %get3A_379 = vector.load %arg1[%get3A_376, %get3A_377, %get3A_378] : memref<1792x32x128xf32, #tpu.memory_space<vmem>>, vector<1x32x128xf32>
      %get3A_380 = vector.shape_cast %get3A_379 : vector<1x32x128xf32> to vector<32x128xf32>
      %get3A_381 = arith.index_cast %get3A_310 : i32 to index
      %get3A_382 = arith.constant 0 : index
      %get3A_383 = arith.constant 0 : index
      %get3A_384 = vector.load %arg1[%get3A_381, %get3A_382, %get3A_383] : memref<1792x32x128xf32, #tpu.memory_space<vmem>>, vector<1x32x128xf32>
      %get3A_385 = vector.shape_cast %get3A_384 : vector<1x32x128xf32> to vector<32x128xf32>
      %max3A_386 = arith.maximumf %max3A, %get3A_315 : vector<32x128xf32>
      %max3A_387 = arith.maximumf %max3A_331, %get3A_320 : vector<32x128xf32>
      %max3A_388 = arith.maximumf %max3A_332, %get3A_325 : vector<32x128xf32>
      %max3A_389 = arith.maximumf %max3A_333, %get3A_330 : vector<32x128xf32>
      %add3A_390 = arith.constant 2 : i32
      %add3A_391 = arith.addi %mul3A_278, %add3A_390 : i32
      %add3A_392 = arith.constant 2 : i32
      %add3A_393 = arith.addi %add3A_391, %add3A_392 : i32
      %get3A_394 = arith.constant 0 : index
      %get3A_395 = arith.constant 0 : index
      %get3A_396 = arith.index_cast %add3A_393 : i32 to index
      %get3A_397 = memref.load %arg2[%get3A_394, %get3A_395, %get3A_396] : memref<1x4x528xi32, #tpu.memory_space<smem>>
      %add3A_398 = arith.constant 2 : i32
      %add3A_399 = arith.addi %mul3A_278, %add3A_398 : i32
      %add3A_400 = arith.constant 2 : i32
      %add3A_401 = arith.addi %add3A_399, %add3A_400 : i32
      %get3A_402 = arith.constant 0 : index
      %get3A_403 = arith.constant 1 : index
      %get3A_404 = arith.index_cast %add3A_401 : i32 to index
      %get3A_405 = memref.load %arg2[%get3A_402, %get3A_403, %get3A_404] : memref<1x4x528xi32, #tpu.memory_space<smem>>
      %add3A_406 = arith.constant 2 : i32
      %add3A_407 = arith.addi %mul3A_278, %add3A_406 : i32
      %add3A_408 = arith.constant 2 : i32
      %add3A_409 = arith.addi %add3A_407, %add3A_408 : i32
      %get3A_410 = arith.constant 0 : index
      %get3A_411 = arith.constant 2 : index
      %get3A_412 = arith.index_cast %add3A_409 : i32 to index
      %get3A_413 = memref.load %arg2[%get3A_410, %get3A_411, %get3A_412] : memref<1x4x528xi32, #tpu.memory_space<smem>>
      %add3A_414 = arith.constant 2 : i32
      %add3A_415 = arith.addi %mul3A_278, %add3A_414 : i32
      %add3A_416 = arith.constant 2 : i32
      %add3A_417 = arith.addi %add3A_415, %add3A_416 : i32
      %get3A_418 = arith.constant 0 : index
      %get3A_419 = arith.constant 3 : index
      %get3A_420 = arith.index_cast %add3A_417 : i32 to index
      %get3A_421 = memref.load %arg2[%get3A_418, %get3A_419, %get3A_420] : memref<1x4x528xi32, #tpu.memory_space<smem>>
      %get3A_422 = arith.index_cast %get3A_341 : i32 to index
      %get3A_423 = arith.constant 0 : index
      %get3A_424 = arith.constant 0 : index
      %get3A_425 = vector.load %arg1[%get3A_422, %get3A_423, %get3A_424] : memref<1792x32x128xf32, #tpu.memory_space<vmem>>, vector<1x32x128xf32>
      %get3A_426 = vector.shape_cast %get3A_425 : vector<1x32x128xf32> to vector<32x128xf32>
      %get3A_427 = arith.index_cast %get3A_349 : i32 to index
      %get3A_428 = arith.constant 0 : index
      %get3A_429 = arith.constant 0 : index
      %get3A_430 = vector.load %arg1[%get3A_427, %get3A_428, %get3A_429] : memref<1792x32x128xf32, #tpu.memory_space<vmem>>, vector<1x32x128xf32>
      %get3A_431 = vector.shape_cast %get3A_430 : vector<1x32x128xf32> to vector<32x128xf32>
      %get3A_432 = arith.index_cast %get3A_357 : i32 to index
      %get3A_433 = arith.constant 0 : index
      %get3A_434 = arith.constant 0 : index
      %get3A_435 = vector.load %arg1[%get3A_432, %get3A_433, %get3A_434] : memref<1792x32x128xf32, #tpu.memory_space<vmem>>, vector<1x32x128xf32>
      %get3A_436 = vector.shape_cast %get3A_435 : vector<1x32x128xf32> to vector<32x128xf32>
      %get3A_437 = arith.index_cast %get3A_365 : i32 to index
      %get3A_438 = arith.constant 0 : index
      %get3A_439 = arith.constant 0 : index
      %get3A_440 = vector.load %arg1[%get3A_437, %get3A_438, %get3A_439] : memref<1792x32x128xf32, #tpu.memory_space<vmem>>, vector<1x32x128xf32>
      %get3A_441 = vector.shape_cast %get3A_440 : vector<1x32x128xf32> to vector<32x128xf32>
      %max3A_442 = arith.maximumf %max3A_386, %get3A_370 : vector<32x128xf32>
      %max3A_443 = arith.maximumf %max3A_387, %get3A_375 : vector<32x128xf32>
      %max3A_444 = arith.maximumf %max3A_388, %get3A_380 : vector<32x128xf32>
      %max3A_445 = arith.maximumf %max3A_389, %get3A_385 : vector<32x128xf32>
      %add3A_446 = arith.constant 3 : i32
      %add3A_447 = arith.addi %mul3A_278, %add3A_446 : i32
      %add3A_448 = arith.constant 2 : i32
      %add3A_449 = arith.addi %add3A_447, %add3A_448 : i32
      %get3A_450 = arith.constant 0 : index
      %get3A_451 = arith.constant 0 : index
      %get3A_452 = arith.index_cast %add3A_449 : i32 to index
      %get3A_453 = memref.load %arg2[%get3A_450, %get3A_451, %get3A_452] : memref<1x4x528xi32, #tpu.memory_space<smem>>
      %add3A_454 = arith.constant 3 : i32
      %add3A_455 = arith.addi %mul3A_278, %add3A_454 : i32
      %add3A_456 = arith.constant 2 : i32
      %add3A_457 = arith.addi %add3A_455, %add3A_456 : i32
      %get3A_458 = arith.constant 0 : index
      %get3A_459 = arith.constant 1 : index
      %get3A_460 = arith.index_cast %add3A_457 : i32 to index
      %get3A_461 = memref.load %arg2[%get3A_458, %get3A_459, %get3A_460] : memref<1x4x528xi32, #tpu.memory_space<smem>>
      %add3A_462 = arith.constant 3 : i32
      %add3A_463 = arith.addi %mul3A_278, %add3A_462 : i32
      %add3A_464 = arith.constant 2 : i32
      %add3A_465 = arith.addi %add3A_463, %add3A_464 : i32
      %get3A_466 = arith.constant 0 : index
      %get3A_467 = arith.constant 2 : index
      %get3A_468 = arith.index_cast %add3A_465 : i32 to index
      %get3A_469 = memref.load %arg2[%get3A_466, %get3A_467, %get3A_468] : memref<1x4x528xi32, #tpu.memory_space<smem>>
      %add3A_470 = arith.constant 3 : i32
      %add3A_471 = arith.addi %mul3A_278, %add3A_470 : i32
      %add3A_472 = arith.constant 2 : i32
      %add3A_473 = arith.addi %add3A_471, %add3A_472 : i32
      %get3A_474 = arith.constant 0 : index
      %get3A_475 = arith.constant 3 : index
      %get3A_476 = arith.index_cast %add3A_473 : i32 to index
      %get3A_477 = memref.load %arg2[%get3A_474, %get3A_475, %get3A_476] : memref<1x4x528xi32, #tpu.memory_space<smem>>
      %get3A_478 = arith.index_cast %get3A_397 : i32 to index
      %get3A_479 = arith.constant 0 : index
      %get3A_480 = arith.constant 0 : index
      %get3A_481 = vector.load %arg1[%get3A_478, %get3A_479, %get3A_480] : memref<1792x32x128xf32, #tpu.memory_space<vmem>>, vector<1x32x128xf32>
      %get3A_482 = vector.shape_cast %get3A_481 : vector<1x32x128xf32> to vector<32x128xf32>
      %get3A_483 = arith.index_cast %get3A_405 : i32 to index
      %get3A_484 = arith.constant 0 : index
      %get3A_485 = arith.constant 0 : index
      %get3A_486 = vector.load %arg1[%get3A_483, %get3A_484, %get3A_485] : memref<1792x32x128xf32, #tpu.memory_space<vmem>>, vector<1x32x128xf32>
      %get3A_487 = vector.shape_cast %get3A_486 : vector<1x32x128xf32> to vector<32x128xf32>
      %get3A_488 = arith.index_cast %get3A_413 : i32 to index
      %get3A_489 = arith.constant 0 : index
      %get3A_490 = arith.constant 0 : index
      %get3A_491 = vector.load %arg1[%get3A_488, %get3A_489, %get3A_490] : memref<1792x32x128xf32, #tpu.memory_space<vmem>>, vector<1x32x128xf32>
      %get3A_492 = vector.shape_cast %get3A_491 : vector<1x32x128xf32> to vector<32x128xf32>
      %get3A_493 = arith.index_cast %get3A_421 : i32 to index
      %get3A_494 = arith.constant 0 : index
      %get3A_495 = arith.constant 0 : index
      %get3A_496 = vector.load %arg1[%get3A_493, %get3A_494, %get3A_495] : memref<1792x32x128xf32, #tpu.memory_space<vmem>>, vector<1x32x128xf32>
      %get3A_497 = vector.shape_cast %get3A_496 : vector<1x32x128xf32> to vector<32x128xf32>
      %max3A_498 = arith.maximumf %max3A_442, %get3A_426 : vector<32x128xf32>
      %max3A_499 = arith.maximumf %max3A_443, %get3A_431 : vector<32x128xf32>
      %max3A_500 = arith.maximumf %max3A_444, %get3A_436 : vector<32x128xf32>
      %max3A_501 = arith.maximumf %max3A_445, %get3A_441 : vector<32x128xf32>
      scf.yield %max3A_498, %max3A_499, %max3A_500, %max3A_501, %get3A_482, %get3A_487, %get3A_492, %get3A_497, %get3A_453, %get3A_461, %get3A_469, %get3A_477 : vector<32x128xf32>, vector<32x128xf32>, vector<32x128xf32>, vector<32x128xf32>, vector<32x128xf32>, vector<32x128xf32>, vector<32x128xf32>, vector<32x128xf32>, i32, i32, i32, i32
    }
    %bitcast_convert_type3A = tpu.bitcast %while3A_90#0 : vector<32x128xf32> -> vector<32x128xi32>
    %get3A_91 = arith.constant 0 : index
    %get3A_92 = arith.constant 0 : index
    %get3A_93 = arith.constant 0 : index
    %get3A_94 = memref.load %arg4[%get3A_91, %get3A_92, %get3A_93] : memref<1x1x4xi32, #tpu.memory_space<smem>>
    %gt3A = arith.constant 0 : i32
    %gt3A_95 = arith.cmpi sgt, %get3A_94, %gt3A : i32
    %and3A_96 = arith.constant 1023 : i32
    %and3A_97 = vector.broadcast %and3A_96 : i32 to vector<32x128xi32>
    %and3A_98 = arith.andi %bitcast_convert_type3A, %and3A_97 : vector<32x128xi32>
    %sub3A_99 = arith.constant 1023 : i32
    %sub3A_100 = vector.broadcast %sub3A_99 : i32 to vector<32x128xi32>
    %sub3A_101 = arith.subi %sub3A_100, %and3A_98 : vector<32x128xi32>
    %shift_right_arithmetic3A = arith.constant 10 : i32
    %shift_right_arithmetic3A_102 = vector.broadcast %shift_right_arithmetic3A : i32 to vector<32x128xi32>
    %shift_right_arithmetic3A_103 = arith.shrsi %bitcast_convert_type3A, %shift_right_arithmetic3A_102 : vector<32x128xi32>
    %shift_left3A = arith.constant 4 : i32
    %shift_left3A_104 = vector.broadcast %shift_left3A : i32 to vector<32x128xi32>
    %shift_left3A_105 = arith.shli %shift_right_arithmetic3A_103, %shift_left3A_104 : vector<32x128xi32>
    %add3A_106 = arith.constant 1065353216 : i32
    %add3A_107 = vector.broadcast %add3A_106 : i32 to vector<32x128xi32>
    %add3A_108 = arith.addi %shift_left3A_105, %add3A_107 : vector<32x128xi32>
    %bitcast_convert_type3A_109 = tpu.bitcast %add3A_108 : vector<32x128xi32> -> vector<32x128xf32>
    %sub3A_110 = arith.constant 1.000000e+00 : f32
    %sub3A_111 = vector.broadcast %sub3A_110 : f32 to vector<32x128xf32>
    %sub3A_112 = arith.subf %bitcast_convert_type3A_109, %sub3A_111 : vector<32x128xf32>
    %jit3A_113 = arith.constant 0.000000e+00 : f32
    %broadcast_in_dim3A_114 = vector.broadcast %jit3A_113 : f32 to vector<32x128xf32>
    %select_n3A_115 = arith.select %gt3A_95, %sub3A_112, %broadcast_in_dim3A_114 : vector<32x128xf32>
    %swap3A = arith.constant 0 : index
    %swap3A_116 = arith.constant 0 : index
    %swap3A_117 = arith.constant 0 : index
    %swap3A_118 = vector.load %arg5[%swap3A, %swap3A_116, %swap3A_117] : memref<4x32x128xf32, #tpu.memory_space<vmem>>, vector<1x32x128xf32>
    %swap3A_119 = vector.shape_cast %swap3A_118 : vector<1x32x128xf32> to vector<32x128xf32>
    %swap3A_120 = vector.shape_cast %select_n3A_115 : vector<32x128xf32> to vector<1x32x128xf32>
    tpu.vector_store %arg5[%swap3A, %swap3A_116, %swap3A_117], %swap3A_120 {strides = array<i32>} : memref<4x32x128xf32, #tpu.memory_space<vmem>>, vector<1x32x128xf32>,
    %convert_element_type3A = arith.sitofp %sub3A_101 : vector<32x128xi32> to vector<32x128xf32>
    %jit3A_121 = arith.constant 0.000000e+00 : f32
    %broadcast_in_dim3A_122 = vector.broadcast %jit3A_121 : f32 to vector<32x128xf32>
    %select_n3A_123 = arith.select %gt3A_95, %convert_element_type3A, %broadcast_in_dim3A_122 : vector<32x128xf32>
    %swap3A_124 = arith.constant 0 : index
    %swap3A_125 = arith.constant 0 : index
    %swap3A_126 = arith.constant 0 : index
    %swap3A_127 = vector.load %arg6[%swap3A_124, %swap3A_125, %swap3A_126] : memref<4x32x128xf32, #tpu.memory_space<vmem>>, vector<1x32x128xf32>
    %swap3A_128 = vector.shape_cast %swap3A_127 : vector<1x32x128xf32> to vector<32x128xf32>
    %swap3A_129 = vector.shape_cast %select_n3A_123 : vector<32x128xf32> to vector<1x32x128xf32>
    tpu.vector_store %arg6[%swap3A_124, %swap3A_125, %swap3A_126], %swap3A_129 {strides = array<i32>} : memref<4x32x128xf32, #tpu.memory_space<vmem>>, vector<1x32x128xf32>,
    %bitcast_convert_type3A_130 = tpu.bitcast %while3A_90#1 : vector<32x128xf32> -> vector<32x128xi32>
    %get3A_131 = arith.constant 0 : index
    %get3A_132 = arith.constant 0 : index
    %get3A_133 = arith.constant 1 : index
    %get3A_134 = memref.load %arg4[%get3A_131, %get3A_132, %get3A_133] : memref<1x1x4xi32, #tpu.memory_space<smem>>
    %gt3A_135 = arith.constant 0 : i32
    %gt3A_136 = arith.cmpi sgt, %get3A_134, %gt3A_135 : i32
    %and3A_137 = arith.constant 1023 : i32
    %and3A_138 = vector.broadcast %and3A_137 : i32 to vector<32x128xi32>
    %and3A_139 = arith.andi %bitcast_convert_type3A_130, %and3A_138 : vector<32x128xi32>
    %sub3A_140 = arith.constant 1023 : i32
    %sub3A_141 = vector.broadcast %sub3A_140 : i32 to vector<32x128xi32>
    %sub3A_142 = arith.subi %sub3A_141, %and3A_139 : vector<32x128xi32>
    %shift_right_arithmetic3A_143 = arith.constant 10 : i32
    %shift_right_arithmetic3A_144 = vector.broadcast %shift_right_arithmetic3A_143 : i32 to vector<32x128xi32>
    %shift_right_arithmetic3A_145 = arith.shrsi %bitcast_convert_type3A_130, %shift_right_arithmetic3A_144 : vector<32x128xi32>
    %shift_left3A_146 = arith.constant 4 : i32
    %shift_left3A_147 = vector.broadcast %shift_left3A_146 : i32 to vector<32x128xi32>
    %shift_left3A_148 = arith.shli %shift_right_arithmetic3A_145, %shift_left3A_147 : vector<32x128xi32>
    %add3A_149 = arith.constant 1065353216 : i32
    %add3A_150 = vector.broadcast %add3A_149 : i32 to vector<32x128xi32>
    %add3A_151 = arith.addi %shift_left3A_148, %add3A_150 : vector<32x128xi32>
    %bitcast_convert_type3A_152 = tpu.bitcast %add3A_151 : vector<32x128xi32> -> vector<32x128xf32>
    %sub3A_153 = arith.constant 1.000000e+00 : f32
    %sub3A_154 = vector.broadcast %sub3A_153 : f32 to vector<32x128xf32>
    %sub3A_155 = arith.subf %bitcast_convert_type3A_152, %sub3A_154 : vector<32x128xf32>
    %jit3A_156 = arith.constant 0.000000e+00 : f32
    %broadcast_in_dim3A_157 = vector.broadcast %jit3A_156 : f32 to vector<32x128xf32>
    %select_n3A_158 = arith.select %gt3A_136, %sub3A_155, %broadcast_in_dim3A_157 : vector<32x128xf32>
    %swap3A_159 = arith.constant 1 : index
    %swap3A_160 = arith.constant 0 : index
    %swap3A_161 = arith.constant 0 : index
    %swap3A_162 = vector.load %arg5[%swap3A_159, %swap3A_160, %swap3A_161] : memref<4x32x128xf32, #tpu.memory_space<vmem>>, vector<1x32x128xf32>
    %swap3A_163 = vector.shape_cast %swap3A_162 : vector<1x32x128xf32> to vector<32x128xf32>
    %swap3A_164 = vector.shape_cast %select_n3A_158 : vector<32x128xf32> to vector<1x32x128xf32>
    tpu.vector_store %arg5[%swap3A_159, %swap3A_160, %swap3A_161], %swap3A_164 {strides = array<i32>} : memref<4x32x128xf32, #tpu.memory_space<vmem>>, vector<1x32x128xf32>,
    %convert_element_type3A_165 = arith.sitofp %sub3A_142 : vector<32x128xi32> to vector<32x128xf32>
    %jit3A_166 = arith.constant 0.000000e+00 : f32
    %broadcast_in_dim3A_167 = vector.broadcast %jit3A_166 : f32 to vector<32x128xf32>
    %select_n3A_168 = arith.select %gt3A_136, %convert_element_type3A_165, %broadcast_in_dim3A_167 : vector<32x128xf32>
    %swap3A_169 = arith.constant 1 : index
    %swap3A_170 = arith.constant 0 : index
    %swap3A_171 = arith.constant 0 : index
    %swap3A_172 = vector.load %arg6[%swap3A_169, %swap3A_170, %swap3A_171] : memref<4x32x128xf32, #tpu.memory_space<vmem>>, vector<1x32x128xf32>
    %swap3A_173 = vector.shape_cast %swap3A_172 : vector<1x32x128xf32> to vector<32x128xf32>
    %swap3A_174 = vector.shape_cast %select_n3A_168 : vector<32x128xf32> to vector<1x32x128xf32>
    tpu.vector_store %arg6[%swap3A_169, %swap3A_170, %swap3A_171], %swap3A_174 {strides = array<i32>} : memref<4x32x128xf32, #tpu.memory_space<vmem>>, vector<1x32x128xf32>,
    %bitcast_convert_type3A_175 = tpu.bitcast %while3A_90#2 : vector<32x128xf32> -> vector<32x128xi32>
    %get3A_176 = arith.constant 0 : index
    %get3A_177 = arith.constant 0 : index
    %get3A_178 = arith.constant 2 : index
    %get3A_179 = memref.load %arg4[%get3A_176, %get3A_177, %get3A_178] : memref<1x1x4xi32, #tpu.memory_space<smem>>
    %gt3A_180 = arith.constant 0 : i32
    %gt3A_181 = arith.cmpi sgt, %get3A_179, %gt3A_180 : i32
    %and3A_182 = arith.constant 1023 : i32
    %and3A_183 = vector.broadcast %and3A_182 : i32 to vector<32x128xi32>
    %and3A_184 = arith.andi %bitcast_convert_type3A_175, %and3A_183 : vector<32x128xi32>
    %sub3A_185 = arith.constant 1023 : i32
    %sub3A_186 = vector.broadcast %sub3A_185 : i32 to vector<32x128xi32>
    %sub3A_187 = arith.subi %sub3A_186, %and3A_184 : vector<32x128xi32>
    %shift_right_arithmetic3A_188 = arith.constant 10 : i32
    %shift_right_arithmetic3A_189 = vector.broadcast %shift_right_arithmetic3A_188 : i32 to vector<32x128xi32>
    %shift_right_arithmetic3A_190 = arith.shrsi %bitcast_convert_type3A_175, %shift_right_arithmetic3A_189 : vector<32x128xi32>
    %shift_left3A_191 = arith.constant 4 : i32
    %shift_left3A_192 = vector.broadcast %shift_left3A_191 : i32 to vector<32x128xi32>
    %shift_left3A_193 = arith.shli %shift_right_arithmetic3A_190, %shift_left3A_192 : vector<32x128xi32>
    %add3A_194 = arith.constant 1065353216 : i32
    %add3A_195 = vector.broadcast %add3A_194 : i32 to vector<32x128xi32>
    %add3A_196 = arith.addi %shift_left3A_193, %add3A_195 : vector<32x128xi32>
    %bitcast_convert_type3A_197 = tpu.bitcast %add3A_196 : vector<32x128xi32> -> vector<32x128xf32>
    %sub3A_198 = arith.constant 1.000000e+00 : f32
    %sub3A_199 = vector.broadcast %sub3A_198 : f32 to vector<32x128xf32>
    %sub3A_200 = arith.subf %bitcast_convert_type3A_197, %sub3A_199 : vector<32x128xf32>
    %jit3A_201 = arith.constant 0.000000e+00 : f32
    %broadcast_in_dim3A_202 = vector.broadcast %jit3A_201 : f32 to vector<32x128xf32>
    %select_n3A_203 = arith.select %gt3A_181, %sub3A_200, %broadcast_in_dim3A_202 : vector<32x128xf32>
    %swap3A_204 = arith.constant 2 : index
    %swap3A_205 = arith.constant 0 : index
    %swap3A_206 = arith.constant 0 : index
    %swap3A_207 = vector.load %arg5[%swap3A_204, %swap3A_205, %swap3A_206] : memref<4x32x128xf32, #tpu.memory_space<vmem>>, vector<1x32x128xf32>
    %swap3A_208 = vector.shape_cast %swap3A_207 : vector<1x32x128xf32> to vector<32x128xf32>
    %swap3A_209 = vector.shape_cast %select_n3A_203 : vector<32x128xf32> to vector<1x32x128xf32>
    tpu.vector_store %arg5[%swap3A_204, %swap3A_205, %swap3A_206], %swap3A_209 {strides = array<i32>} : memref<4x32x128xf32, #tpu.memory_space<vmem>>, vector<1x32x128xf32>,
    %convert_element_type3A_210 = arith.sitofp %sub3A_187 : vector<32x128xi32> to vector<32x128xf32>
    %jit3A_211 = arith.constant 0.000000e+00 : f32
    %broadcast_in_dim3A_212 = vector.broadcast %jit3A_211 : f32 to vector<32x128xf32>
    %select_n3A_213 = arith.select %gt3A_181, %convert_element_type3A_210, %broadcast_in_dim3A_212 : vector<32x128xf32>
    %swap3A_214 = arith.constant 2 : index
    %swap3A_215 = arith.constant 0 : index
    %swap3A_216 = arith.constant 0 : index
    %swap3A_217 = vector.load %arg6[%swap3A_214, %swap3A_215, %swap3A_216] : memref<4x32x128xf32, #tpu.memory_space<vmem>>, vector<1x32x128xf32>
    %swap3A_218 = vector.shape_cast %swap3A_217 : vector<1x32x128xf32> to vector<32x128xf32>
    %swap3A_219 = vector.shape_cast %select_n3A_213 : vector<32x128xf32> to vector<1x32x128xf32>
    tpu.vector_store %arg6[%swap3A_214, %swap3A_215, %swap3A_216], %swap3A_219 {strides = array<i32>} : memref<4x32x128xf32, #tpu.memory_space<vmem>>, vector<1x32x128xf32>,
    %bitcast_convert_type3A_220 = tpu.bitcast %while3A_90#3 : vector<32x128xf32> -> vector<32x128xi32>
    %get3A_221 = arith.constant 0 : index
    %get3A_222 = arith.constant 0 : index
    %get3A_223 = arith.constant 3 : index
    %get3A_224 = memref.load %arg4[%get3A_221, %get3A_222, %get3A_223] : memref<1x1x4xi32, #tpu.memory_space<smem>>
    %gt3A_225 = arith.constant 0 : i32
    %gt3A_226 = arith.cmpi sgt, %get3A_224, %gt3A_225 : i32
    %and3A_227 = arith.constant 1023 : i32
    %and3A_228 = vector.broadcast %and3A_227 : i32 to vector<32x128xi32>
    %and3A_229 = arith.andi %bitcast_convert_type3A_220, %and3A_228 : vector<32x128xi32>
    %sub3A_230 = arith.constant 1023 : i32
    %sub3A_231 = vector.broadcast %sub3A_230 : i32 to vector<32x128xi32>
    %sub3A_232 = arith.subi %sub3A_231, %and3A_229 : vector<32x128xi32>
    %shift_right_arithmetic3A_233 = arith.constant 10 : i32
    %shift_right_arithmetic3A_234 = vector.broadcast %shift_right_arithmetic3A_233 : i32 to vector<32x128xi32>
    %shift_right_arithmetic3A_235 = arith.shrsi %bitcast_convert_type3A_220, %shift_right_arithmetic3A_234 : vector<32x128xi32>
    %shift_left3A_236 = arith.constant 4 : i32
    %shift_left3A_237 = vector.broadcast %shift_left3A_236 : i32 to vector<32x128xi32>
    %shift_left3A_238 = arith.shli %shift_right_arithmetic3A_235, %shift_left3A_237 : vector<32x128xi32>
    %add3A_239 = arith.constant 1065353216 : i32
    %add3A_240 = vector.broadcast %add3A_239 : i32 to vector<32x128xi32>
    %add3A_241 = arith.addi %shift_left3A_238, %add3A_240 : vector<32x128xi32>
    %bitcast_convert_type3A_242 = tpu.bitcast %add3A_241 : vector<32x128xi32> -> vector<32x128xf32>
    %sub3A_243 = arith.constant 1.000000e+00 : f32
    %sub3A_244 = vector.broadcast %sub3A_243 : f32 to vector<32x128xf32>
    %sub3A_245 = arith.subf %bitcast_convert_type3A_242, %sub3A_244 : vector<32x128xf32>
    %jit3A_246 = arith.constant 0.000000e+00 : f32
    %broadcast_in_dim3A_247 = vector.broadcast %jit3A_246 : f32 to vector<32x128xf32>
    %select_n3A_248 = arith.select %gt3A_226, %sub3A_245, %broadcast_in_dim3A_247 : vector<32x128xf32>
    %swap3A_249 = arith.constant 3 : index
    %swap3A_250 = arith.constant 0 : index
    %swap3A_251 = arith.constant 0 : index
    %swap3A_252 = vector.load %arg5[%swap3A_249, %swap3A_250, %swap3A_251] : memref<4x32x128xf32, #tpu.memory_space<vmem>>, vector<1x32x128xf32>
    %swap3A_253 = vector.shape_cast %swap3A_252 : vector<1x32x128xf32> to vector<32x128xf32>
    %swap3A_254 = vector.shape_cast %select_n3A_248 : vector<32x128xf32> to vector<1x32x128xf32>
    tpu.vector_store %arg5[%swap3A_249, %swap3A_250, %swap3A_251], %swap3A_254 {strides = array<i32>} : memref<4x32x128xf32, #tpu.memory_space<vmem>>, vector<1x32x128xf32>,
    %convert_element_type3A_255 = arith.sitofp %sub3A_232 : vector<32x128xi32> to vector<32x128xf32>
    %jit3A_256 = arith.constant 0.000000e+00 : f32
    %broadcast_in_dim3A_257 = vector.broadcast %jit3A_256 : f32 to vector<32x128xf32>
    %select_n3A_258 = arith.select %gt3A_226, %convert_element_type3A_255, %broadcast_in_dim3A_257 : vector<32x128xf32>
    %swap3A_259 = arith.constant 3 : index
    %swap3A_260 = arith.constant 0 : index
    %swap3A_261 = arith.constant 0 : index
    %swap3A_262 = vector.load %arg6[%swap3A_259, %swap3A_260, %swap3A_261] : memref<4x32x128xf32, #tpu.memory_space<vmem>>, vector<1x32x128xf32>
    %swap3A_263 = vector.shape_cast %swap3A_262 : vector<1x32x128xf32> to vector<32x128xf32>
    %swap3A_264 = vector.shape_cast %select_n3A_258 : vector<32x128xf32> to vector<1x32x128xf32>
    tpu.vector_store %arg6[%swap3A_259, %swap3A_260, %swap3A_261], %swap3A_264 {strides = array<i32>} : memref<4x32x128xf32, #tpu.memory_space<vmem>>, vector<1x32x128xf32>,
    return
  }
  func.func @transform_0(%arg0: i32) -> (i32, i32, i32) {
    %c0_i32 = arith.constant 0 : i32
    %c0_i32_0 = arith.constant 0 : i32
    %c0_i32_1 = arith.constant 0 : i32
    %c0_i32_2 = arith.constant 0 : i32
    return %c0_i32, %c0_i32_0, %c0_i32_1 : i32, i32, i32
  }
  func.func @transform_1(%arg0: i32) -> (i32, i32, i32) {
    %c0_i32 = arith.constant 0 : i32
    %c0_i32_0 = arith.constant 0 : i32
    %c0_i32_1 = arith.constant 0 : i32
    return %arg0, %c0_i32, %c0_i32_0 : i32, i32, i32
  }
  func.func @transform_2(%arg0: i32) -> (i32, i32, i32) {
    %c0_i32 = arith.constant 0 : i32
    %c0_i32_0 = arith.constant 0 : i32
    %c0_i32_1 = arith.constant 0 : i32
    return %arg0, %c0_i32, %c0_i32_0 : i32, i32, i32
  }
  func.func @transform_3(%arg0: i32) -> (i32, i32, i32) {
    %c0_i32 = arith.constant 0 : i32
    %c0_i32_0 = arith.constant 0 : i32
    %c0_i32_1 = arith.constant 0 : i32
    return %arg0, %c0_i32, %c0_i32_0 : i32, i32, i32
  }
  func.func @transform_4(%arg0: i32) -> (i32, i32, i32) {
    %c0_i32 = arith.constant 0 : i32
    %c0_i32_0 = arith.constant 0 : i32
    %c0_i32_1 = arith.constant 0 : i32
    return %arg0, %c0_i32, %c0_i32_0 : i32, i32, i32
  }
  func.func @transform_5(%arg0: i32) -> (i32, i32, i32) {
    %c0_i32 = arith.constant 0 : i32
    %c0_i32_0 = arith.constant 0 : i32
    %c0_i32_1 = arith.constant 0 : i32
    return %arg0, %c0_i32, %c0_i32_0 : i32, i32, i32
  }
}

</mosaic_0001>

<sc_bundles>
// kernel: gather_offload_async_start
scs
__scs_entry_jumppad:
0x0: {  	(pc) =	sbr.rel $0x88, $3  }
0x1: {  	(tag) =	ssettag $0x0;
	lr =	simm.s32 $0x1  }
0x2: {  	[smem:$0x3F9F] =	sst lr;
	_ =	strace $0xD0000000  }
0x3: {  	_ = 	snop  }
0x4: {  	_ = 	snop  }
0x5: {  	_ = 	snop  }
0x6: {  	_ = 	snop  }
0x7: {  	_ = 	snop  }
__scs_overlays_trampoline_lowered:
0x8: {  	[smem:$0x3FAE] =	sst s0  }
0x9: {  	[smem:$0x3FAF] =	sst s1  }
0xa: {  	[smem:$0x3FB0] =	sst s2  }
0xb: {  	[smem:$0x3FB1] =	sst s3  }
0xc: {  	[smem:$0x3FB2] =	sst s4  }
0xd: {  	[smem:$0x3FB3] =	sst s5  }
0xe: {  	[smem:$0x3FB4] =	sst s6  }
0xf: {  	[smem:$0x3FB5] =	sst s7  }
0x10: {  	[smem:$0x3FB6] =	sst s8  }
0x11: {  	[smem:$0x3FB7] =	sst s9;
	s0 =	simm.s32 @!p0 $0x0  }
0x12: {  	s1 =	sld [smem:$0x3F9D];
	s0 =	simm.s32 @p0 $0x1  }
0x13: {  	[smem:$0x3FB8] =	sst s0;
	s0 =	simm.s32 @!p1 $0x0  }
0x14: {  	s2 =	sld [smem:$0x3F9C];
	s0 =	simm.s32 @p1 $0x1  }
0x15: {  	[smem:$0x3FB9] =	sst s0;
	s0 =	simm.s32 @!p2 $0x0  }
0x16: {  	s3 =	sld [smem:$0x3FDB];
	s0 =	simm.s32 @p2 $0x1  }
0x17: {  	s4 =	simm.s32 $0x1BF5;
	[smem:$0x3FBB] =	sst s0  }
0x18: {  	s0 =	sld [smem:$0x3F9E];
	_ =	swait.ge [sflag:s4], $0x0  }
0x19: {  	s7 =	sld [smem:$0x3F9F]  }
0x1a: {  	s8 =	sadd.s32 $0xFFFFE003, lr  }
0x1b: {  	s9 =	sadd.s32 $0xFFFFFEF7, lr;
	s5 =	simm.s32 $0xFFFFFFFF;
	p2 =	slt.u32 s8, $0xFFFFF086  }
0x1c: {  	p1 =	slt.u32 s9, $0xF7A;
	s5 =	simm.s32 @!p2 $0x0  }
0x1d: {  	s5 =	simm.s32 @p1 $0x1;
	p0 =	seq.s32 s7, s2  }
0x1e: {  	s7 =	smul.u32 @!p0 $0xF7A, s2;
	p2 =	seq.s32 @!p0 s5, $0x0  }
0x1f: {  	s9 =	smul.u32 $0xF7A, s1;
	s8 =	simm.s32 @!p0 $0x1BF5;
	p2 =	por !p2, p0  }
0x20: {  	[sflag:s8] =	ssyncset.s32 @!p0 $0xFFFFF086;
	s6 =	sadd.s32 @!p0 s3, s7;
	s7 =	simm.s32 @!p0 $0x108  }
0x21: {  	s3 =	sadd.s32 s3, s9;
	s6 =	sadd.s32 @!p0 $0x88, s6;
	s7 =	simm.s32 @p2 $0x1082  }
0x22: {  	[simem:s7], [sflag:s8] =	dma.local @!p0 [hbm:s6], $0xF7A  }
0x23: {  	s9 =	sor.u32 $0xD0000000, s2;
	s6 =	simm.s32 $0x108;
	_ =	swait.ge @!p0 [sflag:s8], $0x0  }
0x24: {  	s3 =	sadd.s32 $0x88, s3;
	s6 =	simm.s32 @!p1 $0x1082;
	[sflag:s4] =	ssyncset.s32 $0xFFFFF086  }
0x25: {  	[simem:s6], [sflag:s4] =	dma.local [hbm:s3], $0xF7A  }
0x26: {  	[smem:$0x3F9F] =	sst s1;
	(tag) =	ssettag s2;
	_ =	strace s9  }
0x27: {  	s1 =	sld [smem:$0x3FAF]  }
0x28: {  	s2 =	sld [smem:$0x3FB0]  }
0x29: {  	s4 =	sld [smem:$0x3FB2]  }
0x2a: {  	p0 =	seq.s32 s5, $0x0;
	s5 =	sld [smem:$0x3FB3]  }
0x2b: {  	s6 =	sld [smem:$0x3FB4]  }
0x2c: {  	s7 =	sld [smem:$0x3FB5]  }
0x2d: {  	s3 =	simm.s32 $0x108;
	s8 =	sld [smem:$0x3FB6]  }
0x2e: {  	s3 =	simm.s32 @!p0 $0x1082;
	s9 =	sld [smem:$0x3FB7]  }
0x2f: {  	lr =	sadd.s32 s0, s3;
	s0 =	sld [smem:$0x3FAE]  }
0x30: {  	s3 =	sld [smem:$0x3FB1]  }
0x31: {  	[smem:$0x3FBA] =	sst s10  }
0x32: {  	s10 =	sld [smem:$0x3FB8];
	_ =	sdelay $0x3  }
0x33: {  	p0 =	seq.s32 s10, $0x1;
	s10 =	sld [smem:$0x3FBA];
	_ =	sdelay $0x3  }
0x34: {  	[smem:$0x3FBA] =	sst s10  }
0x35: {  	s10 =	sld [smem:$0x3FB9];
	_ =	sdelay $0x3  }
0x36: {  	p1 =	seq.s32 s10, $0x1;
	s10 =	sld [smem:$0x3FBA];
	_ =	sdelay $0x3  }
0x37: {  	[smem:$0x3FBA] =	sst s10  }
0x38: {  	s10 =	sld [smem:$0x3FBB]  }
0x39: {  	_ = 	snop;
	(pc) =	sbr.ind lr, $3  }
0x3a: {  	_ = 	snop  }
0x3b: {  	_ = 	snop  }
0x3c: {  	p2 =	seq.s32 s10, $0x1;
	s10 =	sld [smem:$0x3FBA]  }
0x3d: {  	_ =	shalt  }
0x3e: {  	_ =	shalt  }
0x3f: {  	_ =	shalt  }
0x40: {  	_ =	shalt  }
0x41: {  	_ =	shalt  }
0x42: {  	_ =	shalt  }
0x43: {  	_ =	shalt  }
0x44: {  	_ =	shalt  }
0x45: {  	_ =	shalt  }
0x46: {  	_ =	shalt  }
0x47: {  	_ =	shalt  }
0x48: {  	_ =	shalt  }
0x49: {  	_ =	shalt  }
0x4a: {  	_ =	shalt  }
0x4b: {  	_ =	shalt  }
0x4c: {  	_ =	shalt  }
0x4d: {  	_ =	shalt  }
0x4e: {  	_ =	shalt  }
0x4f: {  	_ =	shalt  }
0x50: {  	_ =	shalt  }
0x51: {  	_ =	shalt  }
0x52: {  	_ =	shalt  }
0x53: {  	_ =	shalt  }
0x54: {  	_ =	shalt  }
0x55: {  	_ =	shalt  }
0x56: {  	_ =	shalt  }
0x57: {  	_ =	shalt  }
0x58: {  	_ =	shalt  }
0x59: {  	_ =	shalt  }
0x5a: {  	_ =	shalt  }
0x5b: {  	_ =	shalt  }
0x5c: {  	_ =	shalt  }
0x5d: {  	_ =	shalt  }
0x5e: {  	_ =	shalt  }
0x5f: {  	_ =	shalt  }
0x60: {  	_ =	shalt  }
0x61: {  	_ =	shalt  }
0x62: {  	_ =	shalt  }
0x63: {  	_ =	shalt  }
0x64: {  	_ =	shalt  }
0x65: {  	_ =	shalt  }
0x66: {  	_ =	shalt  }
0x67: {  	_ =	shalt  }
0x68: {  	_ =	shalt  }
0x69: {  	_ =	shalt  }
0x6a: {  	_ =	shalt  }
0x6b: {  	_ =	shalt  }
0x6c: {  	_ =	shalt  }
0x6d: {  	_ =	shalt  }
0x6e: {  	_ =	shalt  }
0x6f: {  	_ =	shalt  }
0x70: {  	_ =	shalt  }
0x71: {  	_ =	shalt  }
0x72: {  	_ =	shalt  }
0x73: {  	_ =	shalt  }
0x74: {  	_ =	shalt  }
0x75: {  	_ =	shalt  }
0x76: {  	_ =	shalt  }
0x77: {  	_ =	shalt  }
0x78: {  	_ =	shalt  }
0x79: {  	_ =	shalt  }
0x7a: {  	_ =	shalt  }
0x7b: {  	_ =	shalt  }
0x7c: {  	_ =	shalt  }
0x7d: {  	_ =	shalt  }
0x7e: {  	_ =	shalt  }
0x7f: {  	_ =	shalt  }
0x80: {  	_ =	shalt  }
0x81: {  	_ =	shalt  }
0x82: {  	_ =	shalt  }
0x83: {  	_ =	shalt  }
0x84: {  	_ =	shalt  }
0x85: {  	_ =	shalt  }
0x86: {  	_ =	shalt  }
0x87: {  	_ =	shalt  }
.Lfunc_end0:
.L_simem_size_0:
called_computation_lowered:
.L_overlay_start_0:
0x88: {  	s2 =	sld [smem:$0x3FD9]  }
0x89: {  	s3 =	sld [smem:$0x3FFE];
	_ =	sdelay $0x1  }
0x8a: {  	s1 =	srdreg.scid  }
0x8b: {  	s0 =	sand.u32 $0x1, s1  }
0x8c: {  	s16 =	sshll.u32 s0, $0xA;
	s2 =	sadd.s32 s3, s2  }
0x8d: {  	s2 =	sadd.s32 s2, s16  }
0x8e: {  	[smem:$0x3FC6] =	sst s2  }
0x8f: {  	_ = 	snop  }
0x90: {  	(tm) =	ssettm $0x1  }
0x91: {  	s17 =	sld [smem:$0x3FFB];
	_ =	sdelay $0x3  }
0x92: {  	_ =	strace s17  }
0x93: {  	s2 =	sld [smem:$0x3FFC];
	_ =	sdelay $0x3  }
0x94: {  	_ =	strace s2  }
0x95: {  	s2 =	sld [smem:$0x3FFD];
	_ =	sdelay $0x3  }
0x96: {  	_ =	strace s2  }
0x97: {  	_ =	strace $0x8FFFFFFF  }
0x98: {  	s18 =	sld [smem:$0x3FDB];
	_ =	sdelay $0x1  }
0x99: {  	s19 =	simm.s32 $_scs_section_size  }
0x9a: {  	s4 =	simm.s32 $_size__tile_overlayer_lowered;
	s5 =	simm.s32 $_tile_overlayer_lowered  }
0x9b: {  	s22 =	simm.s32 $0x1BFF;
	s21 =	sshll.u32 s5, $0x1;
	s2 =	sadd.s32 s19, s18  }
0x9c: {  	s6 =	simm.s32 $0x0;
	s20 =	sshll.u32 s4, $0x1;
	s4 =	sadd.s32 s21, s2  }
0x9d: {  	[timem:s6], [sflag:s22] =	dma.local [hbm:s4], s20  }
0x9e: {  	_ =	swait.ge [sflag:s22], s20  }
0x9f: {  	s3 =	ssub.s32 $0x0, s20;
	[sflag:s22] =	ssyncset.done $0x0  }
0xa0: {  	[sflag:s22] =	ssyncadd.s32 s3;
	_ =	sdelay $0x1  }
0xa1: {  	s23 =	simm.s32 $0x1B8B  }
0xa2: {  	_ =	swait.ge [sflag:s23], $0x1  }
0xa3: {  	[sflag:s23] =	ssyncset.done $0x0  }
0xa4: {  	s25 =	simm.s32 $0x1B8E;
	s24 =	sld [smem:$0x3FFE];
	[sflag:s23] =	ssyncadd.s32 $0xFFFFFFFF  }
0xa5: {  	s26 =	simm.s32 $execute0_lowered;
	[smem:$0x3FD2] =	sst s25  }
0xa6: {  	s4 =	sshll.u32 s26, $0x1;
	_ =	strace $0x80000046;
	[dreg:$0x1] =	wrdreg $0xFFFFFFFF  }
0xa7: {  	s28 =	simm.s32 $_size_execute0_lowered;
	s2 =	sadd.s32 s2, s4;
	[dreg:$0x0] =	wrdreg $0x0  }
0xa8: {  	s4 =	sshll.u32 s28, $0x1;
	[dreg:$0x2] =	wrdreg s2  }
0xa9: {  	[dreg:$0x3] =	wrdreg s4  }
0xaa: {  	[dreg:$0x4] =	wrdreg $0xC0  }
0xab: {  	_ =	task [dreg:s6], $0x5FFFF  }
0xac: {  	[dreg:$0x1] =	wrdreg $0xFFFFFFFF  }
0xad: {  	[dreg:$0x0] =	wrdreg $0x60  }
0xae: {  	[dreg:$0x2] =	wrdreg s24  }
0xaf: {  	[dreg:$0x3] =	wrdreg $0x9  }
0xb0: {  	_ =	task.clear_ibuf [dreg:s6], $0x4FFFF;
	_ =	strace $0x90000046  }
0xb1: {  	s29 =	simm.s32 $0x9;
	_ =	strace $0x80000048  }
0xb2: {  	_ =	swait.ge [sflag:s29], $0x1  }
0xb3: {  	[sflag:s29] =	ssyncadd.s32 $0xFFFFFFFF  }
0xb4: {  	_ =	strace $0x90000048  }
0xb5: {  	_ =	sfence  }
0xb6: {  	s30 =	sld [smem:$0x0];
	_ =	sdelay $0x2  }
0xb7: {  	s31 =	sshll.u32 s1, $0xD;
	s1 =	sshrl.u32 s1, $0x2  }
0xb8: {  	s3 =	sand.u32 $0x4000, s31;
	s1 =	sadd.s32 s1, s30  }
0xb9: {  	s0 =	sor.u32 s3, s0;
	s1 =	sshll.u32 s1, $0x11  }
0xba: {  	s0 =	sor.u32 s1, s0  }
0xbb: {  	s0 =	sadd.s32 $0x8F2B, s0  }
0xbc: {  	[sflag:s0] =	ssyncadd.remote.s32 $0x1  }
0xbd: {  	_ =	sfence.sel $0xFFFF  }
0xbe: {  	[dreg:$0x0] =	wrdreg $0xFFFFFFFF;
	(pc) =	sbr.abs _section_cstart, $3  }
0xbf: {  	[dreg:$0x1] =	wrdreg $0xFFFFFFFF  }
0xc0: {  	_ =	task.clear_ibuf [dreg:s6], $0x2FFFF;
	_ =	strace $0x9FFFFFFF  }
0xc1: {  	(tm) =	ssettm $0x7FFFFFFF  }
tec
execute0_lowered:
.L_overlay_start_1:
0x0: {  	(tag) =	ssettag $0x1  }
0x1: {  	s0 =	srdreg.scid;
	s5 =	rddreg [dreg:$0x0]  }
0x2: {  	s1 =	stileid.u32;
	s6 =	simm.s32 $0x1;
	s9 =	simm.s32 $0x1  }
0x3: {  	s10 =	simm.s32 $0x3;
	s13 =	simm.s32 $0x0;
	s2 =	sshll.u32 s0, $0xD  }
0x4: {  	s12 =	simm.s32 $0x0;
	s3 =	sshll.u32 s1, $0xE;
	s2 =	sand.u32 $0x2000, s2  }
0x5: {  	s0 =	rddreg [dreg:$0x1];
	_ =	strace $0x80000047;
	s2 =	sor.u32 s3, s2  }
0x6: {  	s4 =	sadd.s32 $0x13200, s5;
	[sflag:s6] =	ssyncpa.u1 $0x0;
	s8 =	ssub.s32 $0x80000, s2  }
.Ltmp0:
0x7: {  	s3 =	sadd.s32 $0x43200, s5;
	s7 =	sand.u32 $0x3E000, s8;
	(pc) =	sbr.rel .LBB2_1-.Ltmp0, $4  }
0x8: {  	s5 =	sadd.s32 $0x53200, s5;
	s11 =	smov.u32 s2;
	p0 =	sne.s32 s7, $0x0  }
0x9: {  	s8 =	sshrl.u32 s8, $0x12;
	s7 =	simm.s32 $0x2;
	s9 =	simm.s32 @!p0 $0x0  }
0xa: {  	[sflag:s7] =	ssyncpa.u1 $0x0;
	p0 =	por $0x0, $0x0;
	s8 =	sadd.s32 s9, s8  }
0xb: {  	vm0 =	vmmov $0xffff;
	[sflag:s10] =	ssyncpa.u1 $0x0;
	s10 =	simm.s32 $0x0;
	s9 =	sadd.s32 $0x1, s8  }
.LBB2_4:
0xc: {  	vm1 =	veq.s32 v0, $0x80000000;
	v63 =	vand.u32 $0x3FF, v0;
	v2 =	vand.u32 $0x1FF, v2  }
0xd: {  	v0 =	vsel vm1, $0xFFFFFFFF, v63;
	v2 =	vsel vm1, $0xFFFFFFFF, v2  }
0xe: {  	v3 =	vshll.u32 v0, $0x9;
	v4 =	vshll.u32 v2, $0x3  }
0xf: {  	v0 =	vshll.u32 v0, $0x7;
	v3 =	vand.u32 $0xFFFFF000, v3;
	v4 =	vand.u32 $0xFFFFFC00, v4  }
0x10: {  	v0 =	vand.u32 $0x380, v0;
	v3 =	vadd.s32 v3, v4  }
0x11: {  	v2 =	vand.u32 $0x7F, v2;
	v0 =	vor.u32 v0, v3  }
0x12: {  	v0 =	vor.u32 v2, v0;
	_ =	sdelay $0x1  }
0x13: {  	(ifvalue) =	ssetifvalue $0x7FFFFFFF;
	s14 =	sadd.s32 $0x10, s14  }
0x14: {  	[tilespmem:s14], [sflag:$0x1] =	stream.indirect_vreg.gather [hbm4b:s3+s10], $0x1, v1, vm0, $0x4038;
	[tilespmem:$0x8000] =	vst v63  }
0x15: {  	(ifvalue) =	ssetifvalue $0x7FFFFFFF;
	s14 =	sadd.s32 $0x10, s14  }
0x16: {  	[tilespmem:s14], [sflag:$0x1] =	stream.indirect_vreg.gather [hbm4b:s3+s10], $0x1, v0, vm0, $0x4038;
	[tilespmem:$0x8000] =	vst v63  }
0x17: {  	_ =	swait.ge [sflag:s6], $0x2000  }
0x18: {  	s30 =	sshrl.u32 s13, $0x3;
	[sflag:s6] =	ssyncset.done $0x0  }
0x19: {  	s31 =	sand.u32 $0x7, s13;
	s14 =	sadd.s32 s5, s30;
	[sflag:s6] =	ssyncadd.s32 $0xFFFFE000  }
0x1a: {  	[hbm4b:s14+s31] =	stream.linear.scatter [tilespmem:s15], [sflag:$0x3], $0x2000, $0x38;
	[tilespmem:$0x8000] =	vst v63  }
.LBB2_5:
0x1b: {  	s15 =	sadd.s32 $0x40000, s11  }
0x1c: {  	p2 =	sgt.s32 s15, $0x7FFFF  }
0x1d: {  	s15 =	smov.u32 @p2 s2;
	p2 =	sne.s32 s12, s9  }
.Ltmp1:
0x1e: {  	p1 =	slt.u32 s12, $0x2;
	(pc) =	sbr.rel @!p2 .LBB2_6-.Ltmp1, $4  }
0x1f: {  	s14 =	simm.s32 @!p1 $0x3  }
0x20: {  	s16 =	sadd.s32 $0x1, s12;
	_ =	swait.ge @!p1 [sflag:s14], $0x2000  }
0x21: {  	s13 =	smov.u32 s11;
	p0 =	por !p0, !p0;
	[sflag:s14] =	ssyncset.done @!p1 $0x0  }
0x22: {  	s12 =	smov.u32 s16;
	s11 =	smov.u32 s15;
	[sflag:s14] =	ssyncadd.s32 @!p1 $0xFFFFE000  }
.LBB2_1:
0x23: {  	p1 =	sge.u32 s12, s8  }
0x24: {  	s14 =	sxor.u32 @!p1 $0xFFFFFFFF, s12  }
0x25: {  	s31 =	sadd.s32 $0xFFFFFFFF, s12;
	s15 =	sshrl.u32 @!p1 s11, $0x3;
	s14 =	sshll.u32 @!p1 s14, $0xD  }
0x26: {  	s16 =	sand.u32 @!p1 $0x7, s11;
	s15 =	sadd.s32 @!p1 s4, s15;
	s14 =	sand.u32 @!p1 $0x2000, s14  }
0x27: {  	[tilespmem:s14], [sflag:$0x2] =	stream.linear.gather @!p1 [hbm4b:s15+s16], $0x2000, $0x38;
	[tilespmem:$0x8000] =	vst v63  }
0x28: {  	p1 =	sge.u32 s31, s8  }
.Ltmp2:
0x29: {  	_ = 	snop;
	(pc) =	sbr.rel @p1 .LBB2_5-.Ltmp2, $1  }
0x2a: {  	_ =	sdelay $0x3  }
0x2b: {  	s14 =	simm.s32 $0x1  }
0x2c: {  	_ =	swait.ge [sflag:s7], $0x2000;
	s14 =	simm.s32 @!p0 $0x0  }
0x2d: {  	[sflag:s7] =	ssyncset.done $0x0;
	s14 =	sshll.u32 s14, $0xD  }
0x2e: {  	[sflag:s7] =	ssyncadd.s32 $0xFFFFE000;
	(ifvalue) =	ssetifvalue $0x7FFFFFFF;
	v0 =	vld.msk [tilespmem:s14+$0x0 ss:$0x1], $0xffff;
	_ =	sdelay $0x3  }
0x2f: {  	s15 =	sadd.s32 $0x10, s14  }
0x30: {  	v2 =	vld.msk [tilespmem:s15+$0x0 ss:$0x1], $0xffff;
	v1 =	vshrl.u32 v0, $0xA  }
0x31: {  	vm1 =	veq.s32 v0, $0x80000000;
	v0 =	vand.u32 $0x3FF, v0;
	v1 =	vand.u32 $0x1FF, v1  }
0x32: {  	v0 =	vsel vm1, $0xFFFFFFFF, v0;
	v1 =	vsel vm1, $0xFFFFFFFF, v1  }
0x33: {  	v3 =	vshll.u32 v0, $0x9;
	v4 =	vshll.u32 v1, $0x3  }
0x34: {  	v0 =	vshll.u32 v0, $0x7;
	v3 =	vand.u32 $0xFFFFF000, v3;
	v4 =	vand.u32 $0xFFFFFC00, v4  }
0x35: {  	vm1 =	veq.s32 v2, $0x80000000;
	v0 =	vand.u32 $0x380, v0;
	v3 =	vadd.s32 v3, v4  }
0x36: {  	v1 =	vand.u32 $0x7F, v1;
	v0 =	vor.u32 v0, v3;
	v3 =	vshrl.u32 v2, $0xA  }
0x37: {  	s17 =	sadd.s32 $0x10, s15;
	v2 =	vand.u32 $0x3FF, v2;
	v1 =	vor.u32 v1, v0;
	v3 =	vand.u32 $0x1FF, v3  }
0x38: {  	v0 =	vld.msk [tilespmem:s17+$0x0 ss:$0x1], $0xffff;
	v2 =	vsel vm1, $0xFFFFFFFF, v2;
	v3 =	vsel vm1, $0xFFFFFFFF, v3  }
0x39: {  	v63 =	vshll.u32 v2, $0x9;
	v5 =	vshll.u32 v3, $0x3  }
0x3a: {  	s31 =	sshll.u32 s12, $0xD;
	v2 =	vshll.u32 v2, $0x7;
	v4 =	vand.u32 $0xFFFFF000, v63;
	v5 =	vand.u32 $0xFFFFFC00, v5  }
0x3b: {  	s14 =	sor.u32 $0x4000, s14;
	s15 =	sand.u32 $0x2000, s31;
	(ifvalue) =	ssetifvalue $0x7FFFFFFF;
	v2 =	vand.u32 $0x380, v2;
	v4 =	vadd.s32 v4, v5  }
0x3c: {  	[tilespmem:s14], [sflag:$0x1] =	stream.indirect_vreg.gather [hbm4b:s3+s10], $0x1, v1, vm0, $0x4038;
	v1 =	vand.u32 $0x7F, v3;
	v3 =	vor.u32 v2, v4;
	[tilespmem:$0x8000] =	vst v63  }
0x3d: {  	s16 =	simm.s32 $0x20;
	s15 =	sor.u32 $0x4000, s15;
	s17 =	sadd.s32 $0x10, s17;
	v2 =	vshrl.u32 v0, $0xA;
	v1 =	vor.u32 v1, v3  }
.LBB2_3:
0x3e: {  	s16 =	sadd.s32 $0x10, s16;
	vm1 =	veq.s32 v0, $0x80000000;
	v3 =	vand.u32 $0x3FF, v0;
	v0 =	vld.msk [tilespmem:s17+$0x0 ss:$0x1], $0xffff;
	v2 =	vand.u32 $0x1FF, v2  }
0x3f: {  	p1 =	slt.u32 s16, $0x1FF0;
	v3 =	vsel vm1, $0xFFFFFFFF, v3;
	v2 =	vsel vm1, $0xFFFFFFFF, v2  }
.Ltmp3:
0x40: {  	v4 =	vshll.u32 v3, $0x9;
	v5 =	vshll.u32 v2, $0x3;
	(pc) =	sbr.rel @p1 .LBB2_3-.Ltmp3, $4  }
0x41: {  	s14 =	sadd.s32 $0x10, s14;
	v3 =	vshll.u32 v3, $0x7;
	v4 =	vand.u32 $0xFFFFF000, v4;
	v5 =	vand.u32 $0xFFFFFC00, v5;
	(ifvalue) =	ssetifvalue $0x7FFFFFFF  }
0x42: {  	v3 =	vand.u32 $0x380, v3;
	v4 =	vadd.s32 v4, v5;
	[tilespmem:s14], [sflag:$0x1] =	stream.indirect_vreg.gather [hbm4b:s3+s10], $0x1, v1, vm0, $0x4038;
	[tilespmem:$0x8000] =	vst v63  }
0x43: {  	v1 =	vand.u32 $0x7F, v2;
	v3 =	vor.u32 v3, v4  }
0x44: {  	s17 =	sadd.s32 $0x10, s17;
	v2 =	vshrl.u32 v0, $0xA;
	v1 =	vor.u32 v1, v3  }
.Ltmp4:
0x45: {  	_ = 	snop;
	(pc) =	sbr.rel .LBB2_4-.Ltmp4, $1  }
0x46: {  	_ =	sdelay $0x3  }
.LBB2_6:
0x47: {  	_ =	sfence.sel $0x180000  }
0x48: {  	s2 =	simm.s32 $0x2;
	[bflag:$0x0] =	sbarrier.arrive $0xFFFF  }
0x49: {  	s30 =	simm.s32 $0x3;
	[sflag:s2] =	ssyncpa.u1 $0x1  }
0x4a: {  	s31 =	simm.s32 $0x1;
	[sflag:s30] =	ssyncpa.u1 $0x1  }
0x4b: {  	[sflag:s31] =	ssyncpa.u1 $0x1  }
0x4c: {  	p0 =	sne.s32 s1, $0x0;
	_ =	strace $0x90000047  }
0x4d: {  	s0 =	sadd.s32 @!p0 $0x100000, s0;
	[bflag:$0x2] =	sbarrier.arrive $0xFFFF  }
0x4e: {  	[sflag:s0] =	ssyncadd.tile.s32 @!p0 $0x1;
	_ =	shalt  }
.Lfunc_end2:
_tile_overlayer_lowered:
.L_overlay_start_2:
0x4f: {  	(tag) =	ssettag $0x2  }
0x50: {  	s0 =	rddreg [dreg:$0x0];
	s2 =	stileid.u32  }
0x51: {  	s1 =	rddreg [dreg:$0x1];
	p0 =	sne.s32 s2, $0x0  }
0x52: {  	s3 =	rddreg [dreg:$0x2];
	[bflag:$0x3] =	sbarrier.arrive $0xFFFF;
	s2 =	simm.s32 @!p0 $0x1C01  }
0x53: {  	[timem:s3], [sflag:s2] =	dma.local @!p0 [hbm:s0], s1  }
0x54: {  	s0 =	simm.s32 @!p0 $0x1  }
0x55: {  	_ =	swait.ge @!p0 [sflag:s0], s1  }
0x56: {  	s1 =	ssub.s32 @!p0 $0x0, s1;
	[sflag:s0] =	ssyncset.done @!p0 $0x0  }
0x57: {  	[sflag:s0] =	ssyncadd.s32 @!p0 s1  }
0x58: {  	[bflag:$0x3] =	sbarrier.arrive $0xFFFF  }
0x59: {  	_ =	shalt  }

</sc_bundles>
